<compile_context>
chip_gen: v7x
topology: tpu7x:2x2x1
jax: 0.10.2.dev20260603
libtpu: 0.0.44.dev20260713+nightly
codegen_flags: <defaults>
</compile_context>

<pallas_src>
import functools

import jax
import jax.numpy as jnp
from jax import lax
from jax.experimental import pallas as pl
from jax.experimental.pallas import tpu as pltpu
from jax.experimental.pallas import tpu_sc as plsc

B, NJ, COL = 4096, 14, 14
CELLS = COL * COL
NP = B * NJ
HN = NP * CELLS

TC_ROWS, TC_COLS = 256, 43904
TC_BLK = 16


def _sumsq_body(h_ref, out_ref):
    @pl.when(pl.program_id(0) == 0)
    def _():
        out_ref[0, 0] = 0.0
    x = h_ref[...]
    out_ref[0, 0] += jnp.sum(x * x)


def _sumsq(h2d):
    return pl.pallas_call(
        _sumsq_body,
        grid=(TC_ROWS // TC_BLK,),
        in_specs=[pl.BlockSpec((TC_BLK, TC_COLS), lambda i: (i, 0))],
        out_specs=pl.BlockSpec((1, 1), lambda i: (0, 0),
                               memory_space=pltpu.SMEM),
        out_shape=jax.ShapeDtypeStruct((1, 1), jnp.float32),
    )(h2d)


NC, NS, L = 2, 16, 16
NW = NC * NS
PPW = NP // NW
GROWS = PPW // 128

_sc_mesh = plsc.VectorSubcoreMesh(core_axis_name="c", subcore_axis_name="s")


@functools.partial(
    pl.kernel,
    mesh=_sc_mesh,
    out_type=jax.ShapeDtypeStruct((NW, L), jnp.float32),
    scratch_types=[
        pltpu.VMEM((PPW,), jnp.float32),
        pltpu.VMEM((PPW,), jnp.float32),
        pltpu.VMEM((PPW,), jnp.int32),
        pltpu.VMEM((GROWS, 128), jnp.int32),
        pltpu.VMEM((GROWS, 128), jnp.float32),
        pltpu.VMEM((L,), jnp.float32),
        pltpu.SemaphoreType.DMA,
    ],
)
def _corr_kernel(tx_hbm, ty_hbm, v_hbm, h_hbm, out_hbm,
                 tx_v, ty_v, v_v, idx_v, g_v, acc_v, sem):
    wid = lax.axis_index("s") * NC + lax.axis_index("c")
    base = wid * PPW
    pltpu.sync_copy(tx_hbm.at[pl.ds(base, PPW)], tx_v)
    pltpu.sync_copy(ty_hbm.at[pl.ds(base, PPW)], ty_v)
    pltpu.sync_copy(v_hbm.at[pl.ds(base, PPW)], v_v)

    lane = lax.iota(jnp.int32, L)

    def idx_chunk(i, _):
        tx = tx_v[pl.ds(i * L, L)]
        ty = ty_v[pl.ds(i * L, L)]
        xi = jnp.clip((tx * COL).astype(jnp.int32), 0, COL - 1)
        yi = jnp.clip((ty * COL).astype(jnp.int32), 0, COL - 1)
        p = base + i * L + lane
        row = i // 8
        col = (i % 8) * L
        idx_v[row, pl.ds(col, L)] = p * CELLS + xi * COL + yi
        return 0

    lax.fori_loop(0, PPW // L, idx_chunk, 0)

    copies = [
        pltpu.async_copy(h_hbm.at[idx_v.at[j]], g_v.at[j], sem)
        for j in range(GROWS)
    ]
    for cp in copies:
        cp.wait()

    def acc_chunk(i, acc):
        g = g_v[i // 8, pl.ds((i % 8) * L, L)]
        vis = v_v[pl.ds(i * L, L)]
        return acc + jnp.where(vis == 1, 1.0 - 2.0 * g, 0.0)

    acc = lax.fori_loop(0, PPW // L, acc_chunk, jnp.zeros((L,), jnp.float32))
    acc_v[...] = acc
    pltpu.sync_copy(acc_v, out_hbm.at[wid])


def kernel(o, h, t, v):
    h2d = h.reshape(TC_ROWS, TC_COLS)
    hflat = h.reshape(HN)
    tx = t[:, :, 0].reshape(NP)
    ty = t[:, :, 1].reshape(NP)
    vf = v.reshape(NP)
    ssq = _sumsq(h2d)[0, 0]
    parts = _corr_kernel(tx, ty, vf, hflat)
    return (ssq + jnp.sum(parts)) / jnp.float32(HN / 2.0)

# --- scband reference (transcript-rebuilt; emitter-appended) ---
"""Pipeline reference for scband-mean-squared-error2-57629871178021 (READ-ONLY COPY).

The authoritative reference and input builder live on the scoring server;
editing this copy changes nothing except your own understanding.
"""

import jax, jax.numpy as jnp
import numpy as np

B, NJ, COL = 4096, 14, 14

def setup_inputs(seed: int = 0) -> dict:
    key = jax.random.key(seed)
    k1, k2, k3, k4 = jax.random.split(key, 4)
    o = jax.random.normal(k1, (B, 2, COL, COL), dtype=jnp.float32)
    h = jax.random.normal(k2, (B, NJ, COL, COL), dtype=jnp.float32)
    t = jax.random.uniform(k3, (B, NJ, 2), dtype=jnp.float32)
    v = jax.random.randint(k4, (B, NJ, 1), 0, 2, dtype=jnp.int32)
    return {"o": o, "h": h, "t": t, "v": v}

def reference(o, h, t, v):
    # Build target heatmap tt: for each visible joint, set a single 1 at the
    # (clipped, truncated) grid cell derived from normalized coords t.
    ti = t * COL
    xi = jnp.clip(ti[:, :, 0].astype(jnp.int32), 0, COL - 1)  # int() trunc; t>=0 so same
    yi = jnp.clip(ti[:, :, 1].astype(jnp.int32), 0, COL - 1)
    vis = (v[:, :, 0] == 1)
    bidx = jnp.arange(h.shape[0], dtype=jnp.int32)[:, None]
    jidx = jnp.arange(NJ, dtype=jnp.int32)[None, :]
    # route invisible joints out of bounds so mode='drop' skips them
    xm = jnp.where(vis, xi, COL)
    tt = jnp.zeros(h.shape, dtype=jnp.float32).at[bidx, jidx, xm, yi].set(1.0, mode='drop')
    # NOTE: the original module also computes pp (offset map) and an argmax
    # coordinate tensor x, but neither contributes to the returned scalar;
    # the return depends only on h and tt.
    diff = (h - tt).reshape(-1)
    Nf = h.size / 2.0
    return jnp.dot(diff, diff) / Nf

if __name__ == "__main__":
    import jax
    _d = setup_inputs()
    print(jax.jit(kernel)(*tuple(_d.values())))

</pallas_src>

<mosaic_0001>
#map = affine_map<(d0, d1) -> (0)>
#map1 = affine_map<(d0, d1) -> (0, 0)>
module attributes {stable_mosaic.version = 14 : i64} {
  func.func @_corr_kernel(%arg0: i32, %arg1: i32, %arg2: memref<57344xf32, #tpu.memory_space<hbm>>, %arg3: memref<57344xf32, #tpu.memory_space<hbm>>, %arg4: memref<57344xi32, #tpu.memory_space<hbm>>, %arg5: memref<11239424xf32, #tpu.memory_space<hbm>>, %arg6: memref<32x16xf32, #tpu.memory_space<hbm>>, %arg7: memref<1792xf32, #tpu.memory_space<vmem>>, %arg8: memref<1792xf32, #tpu.memory_space<vmem>>, %arg9: memref<1792xi32, #tpu.memory_space<vmem>>, %arg10: memref<14x128xi32, #tpu.memory_space<vmem>>, %arg11: memref<14x128xf32, #tpu.memory_space<vmem>>, %arg12: memref<16xf32, #tpu.memory_space<vmem>>, %arg13: memref<!tpu.dma_semaphore, #tpu.memory_space<semaphore_mem>>) attributes {dimension_semantics = [#tpu.dimension_semantics<core_parallel>, #tpu.dimension_semantics<subcore_parallel>], iteration_bounds = array<i64: 2, 16>, scalar_prefetch = 0 : i64, scratch_operands = 7 : i64, tpu.core_type = #tpu.core_type<sc_vector_subcore>, window_params = [{transform_indices = #map}, {transform_indices = #map}, {transform_indices = #map}, {transform_indices = #map}, {transform_indices = #map1}]} {
    %mul3A = arith.constant 2 : i32
    %mul3A_0 = arith.muli %arg1, %mul3A : i32
    %add3A = arith.addi %mul3A_0, %arg0 : i32
    %mul3A_1 = arith.constant 1792 : i32
    %mul3A_2 = arith.muli %add3A, %mul3A_1 : i32
    "tpu.region"() ({
      %run_scoped3A = tpu.sem_alloc : memref<!tpu.dma_semaphore, #tpu.memory_space<semaphore_mem>>
      %dma_start3A_297 = tpu.memref_slice %arg2[%mul3A_2] : memref<57344xf32, #tpu.memory_space<hbm>> -> memref<1792xf32, #tpu.memory_space<hbm>>
      %dma_start3A_298 = tpu.memref_slice %arg2[%mul3A_2] : memref<57344xf32, #tpu.memory_space<hbm>> -> memref<1792xf32, #tpu.memory_space<hbm>>
      tpu.enqueue_dma source(%dma_start3A_298 : memref<1792xf32, #tpu.memory_space<hbm>>) target(%arg7 : memref<1792xf32, #tpu.memory_space<vmem>>) target_semaphore(%run_scoped3A : memref<!tpu.dma_semaphore, #tpu.memory_space<semaphore_mem>>)
      %dma_wait3A_299 = tpu.memref_slice %arg2[%mul3A_2] : memref<57344xf32, #tpu.memory_space<hbm>> -> memref<1792xf32, #tpu.memory_space<hbm>>
      %dma_wait3A_300 = tpu.memref_slice %arg2[%mul3A_2] : memref<57344xf32, #tpu.memory_space<hbm>> -> memref<1792xf32, #tpu.memory_space<hbm>>
      tpu.wait_dma2 semaphore(%run_scoped3A : memref<!tpu.dma_semaphore, #tpu.memory_space<semaphore_mem>>) src(%dma_wait3A_300 : memref<1792xf32, #tpu.memory_space<hbm>>) dst(%arg7 : memref<1792xf32, #tpu.memory_space<vmem>>)
      tpu.yield
    }) : () -> ()
    "tpu.region"() ({
      %run_scoped3A = tpu.sem_alloc : memref<!tpu.dma_semaphore, #tpu.memory_space<semaphore_mem>>
      %dma_start3A_297 = tpu.memref_slice %arg3[%mul3A_2] : memref<57344xf32, #tpu.memory_space<hbm>> -> memref<1792xf32, #tpu.memory_space<hbm>>
      %dma_start3A_298 = tpu.memref_slice %arg3[%mul3A_2] : memref<57344xf32, #tpu.memory_space<hbm>> -> memref<1792xf32, #tpu.memory_space<hbm>>
      tpu.enqueue_dma source(%dma_start3A_298 : memref<1792xf32, #tpu.memory_space<hbm>>) target(%arg8 : memref<1792xf32, #tpu.memory_space<vmem>>) target_semaphore(%run_scoped3A : memref<!tpu.dma_semaphore, #tpu.memory_space<semaphore_mem>>)
      %dma_wait3A_299 = tpu.memref_slice %arg3[%mul3A_2] : memref<57344xf32, #tpu.memory_space<hbm>> -> memref<1792xf32, #tpu.memory_space<hbm>>
      %dma_wait3A_300 = tpu.memref_slice %arg3[%mul3A_2] : memref<57344xf32, #tpu.memory_space<hbm>> -> memref<1792xf32, #tpu.memory_space<hbm>>
      tpu.wait_dma2 semaphore(%run_scoped3A : memref<!tpu.dma_semaphore, #tpu.memory_space<semaphore_mem>>) src(%dma_wait3A_300 : memref<1792xf32, #tpu.memory_space<hbm>>) dst(%arg8 : memref<1792xf32, #tpu.memory_space<vmem>>)
      tpu.yield
    }) : () -> ()
    "tpu.region"() ({
      %run_scoped3A = tpu.sem_alloc : memref<!tpu.dma_semaphore, #tpu.memory_space<semaphore_mem>>
      %dma_start3A_297 = tpu.memref_slice %arg4[%mul3A_2] : memref<57344xi32, #tpu.memory_space<hbm>> -> memref<1792xi32, #tpu.memory_space<hbm>>
      %dma_start3A_298 = tpu.memref_slice %arg4[%mul3A_2] : memref<57344xi32, #tpu.memory_space<hbm>> -> memref<1792xi32, #tpu.memory_space<hbm>>
      tpu.enqueue_dma source(%dma_start3A_298 : memref<1792xi32, #tpu.memory_space<hbm>>) target(%arg9 : memref<1792xi32, #tpu.memory_space<vmem>>) target_semaphore(%run_scoped3A : memref<!tpu.dma_semaphore, #tpu.memory_space<semaphore_mem>>)
      %dma_wait3A_299 = tpu.memref_slice %arg4[%mul3A_2] : memref<57344xi32, #tpu.memory_space<hbm>> -> memref<1792xi32, #tpu.memory_space<hbm>>
      %dma_wait3A_300 = tpu.memref_slice %arg4[%mul3A_2] : memref<57344xi32, #tpu.memory_space<hbm>> -> memref<1792xi32, #tpu.memory_space<hbm>>
      tpu.wait_dma2 semaphore(%run_scoped3A : memref<!tpu.dma_semaphore, #tpu.memory_space<semaphore_mem>>) src(%dma_wait3A_300 : memref<1792xi32, #tpu.memory_space<hbm>>) dst(%arg9 : memref<1792xi32, #tpu.memory_space<vmem>>)
      tpu.yield
    }) : () -> ()
    %iota3A = tpu.iota {dimensions = array<i32: 0>} : vector<16xi32>
    %scan3A = arith.constant 0 : i32
    %scan3A_3 = arith.constant 0 : i32
    %scan3A_4 = arith.constant 112 : i32
    %scan3A_5 = arith.addi %scan3A_3, %scan3A_4 : i32
    %scan3A_6 = arith.constant 1 : i32
    %scan3A_7 = scf.for %scan3A_297 = %scan3A_3 to %scan3A_5 step %scan3A_6 iter_args(%scan3A_298 = %scan3A) -> (i32)  : i32 {
      %mul3A_299 = arith.constant 16 : i32
      %mul3A_300 = arith.muli %scan3A_297, %mul3A_299 : i32
      %get3A = arith.index_cast %mul3A_300 : i32 to index
      %get3A_301 = tpu.vector_load %arg7[%get3A] {strides = array<i32>} : memref<1792xf32, #tpu.memory_space<vmem>>, vector<16xf32>,
      %get3A_302 = vector.shape_cast %get3A_301 : vector<16xf32> to vector<16xf32>
      %mul3A_303 = arith.constant 16 : i32
      %mul3A_304 = arith.muli %scan3A_297, %mul3A_303 : i32
      %get3A_305 = arith.index_cast %mul3A_304 : i32 to index
      %get3A_306 = tpu.vector_load %arg8[%get3A_305] {strides = array<i32>} : memref<1792xf32, #tpu.memory_space<vmem>>, vector<16xf32>,
      %get3A_307 = vector.shape_cast %get3A_306 : vector<16xf32> to vector<16xf32>
      %mul3A_308 = arith.constant 1.400000e+01 : f32
      %mul3A_309 = vector.broadcast %mul3A_308 : f32 to vector<16xf32>
      %mul3A_310 = arith.mulf %get3A_302, %mul3A_309 : vector<16xf32>
      %convert_element_type3A = arith.fptosi %mul3A_310 : vector<16xf32> to vector<16xi32>
      %jit3A = arith.constant 0 : i32
      %jit3A_311 = arith.constant 13 : i32
      %max3A = vector.broadcast %jit3A : i32 to vector<16xi32>
      %max3A_312 = arith.maxsi %max3A, %convert_element_type3A : vector<16xi32>
      %min3A = vector.broadcast %jit3A_311 : i32 to vector<16xi32>
      %min3A_313 = arith.minsi %min3A, %max3A_312 : vector<16xi32>
      %mul3A_314 = arith.constant 1.400000e+01 : f32
      %mul3A_315 = vector.broadcast %mul3A_314 : f32 to vector<16xf32>
      %mul3A_316 = arith.mulf %get3A_307, %mul3A_315 : vector<16xf32>
      %convert_element_type3A_317 = arith.fptosi %mul3A_316 : vector<16xf32> to vector<16xi32>
      %jit3A_318 = arith.constant 0 : i32
      %jit3A_319 = arith.constant 13 : i32
      %max3A_320 = vector.broadcast %jit3A_318 : i32 to vector<16xi32>
      %max3A_321 = arith.maxsi %max3A_320, %convert_element_type3A_317 : vector<16xi32>
      %min3A_322 = vector.broadcast %jit3A_319 : i32 to vector<16xi32>
      %min3A_323 = arith.minsi %min3A_322, %max3A_321 : vector<16xi32>
      %mul3A_324 = arith.constant 16 : i32
      %mul3A_325 = arith.muli %scan3A_297, %mul3A_324 : i32
      %add3A_326 = arith.addi %mul3A_2, %mul3A_325 : i32
      %add3A_327 = vector.broadcast %add3A_326 : i32 to vector<16xi32>
      %add3A_328 = arith.addi %add3A_327, %iota3A : vector<16xi32>
      %jit3A_329 = arith.constant 8 : i32
      %div3A = arith.divsi %scan3A_297, %jit3A_329 : i32
      %sign3A = arith.constant 0 : i32
      %sign3A_330 = arith.cmpi sgt, %scan3A_297, %sign3A : i32
      %sign3A_331 = arith.extui %sign3A_330 : i1 to i32
      %sign3A_332 = arith.constant 0 : i32
      %sign3A_333 = arith.cmpi slt, %scan3A_297, %sign3A_332 : i32
      %sign3A_334 = arith.extui %sign3A_333 : i1 to i32
      %sign3A_335 = arith.subi %sign3A_331, %sign3A_334 : i32
      %sign3A_336 = arith.constant 0 : i32
      %sign3A_337 = arith.cmpi sgt, %jit3A_329, %sign3A_336 : i32
      %sign3A_338 = arith.extui %sign3A_337 : i1 to i32
      %sign3A_339 = arith.constant 0 : i32
      %sign3A_340 = arith.cmpi slt, %jit3A_329, %sign3A_339 : i32
      %sign3A_341 = arith.extui %sign3A_340 : i1 to i32
      %sign3A_342 = arith.subi %sign3A_338, %sign3A_341 : i32
      %ne3A = arith.cmpi ne, %sign3A_335, %sign3A_342 : i32
      %rem3A = arith.remsi %scan3A_297, %jit3A_329 : i32
      %ne3A_343 = arith.constant 0 : i32
      %ne3A_344 = arith.cmpi ne, %rem3A, %ne3A_343 : i32
      %and3A = arith.andi %ne3A, %ne3A_344 : i1
      %sub3A = arith.constant 1 : i32
      %sub3A_345 = arith.subi %div3A, %sub3A : i32
      %select_n3A = arith.select %and3A, %sub3A_345, %div3A : i32
      %jit3A_346 = arith.constant 8 : i32
      %eq3A = arith.constant 0 : i32
      %eq3A_347 = arith.cmpi eq, %jit3A_346, %eq3A : i32
      %jit3A_348 = arith.constant 1 : i32
      %select_n3A_349 = arith.select %eq3A_347, %jit3A_348, %jit3A_346 : i32
      %rem3A_350 = arith.remsi %scan3A_297, %select_n3A_349 : i32
      %ne3A_351 = arith.constant 0 : i32
      %ne3A_352 = arith.cmpi ne, %rem3A_350, %ne3A_351 : i32
      %lt3A = arith.constant 0 : i32
      %lt3A_353 = arith.cmpi slt, %rem3A_350, %lt3A : i32
      %lt3A_354 = arith.constant 0 : i32
      %lt3A_355 = arith.cmpi slt, %select_n3A_349, %lt3A_354 : i32
      %ne3A_356 = arith.xori %lt3A_353, %lt3A_355 : i1
      %and3A_357 = arith.andi %ne3A_356, %ne3A_352 : i1
      %add3A_358 = arith.addi %rem3A_350, %select_n3A_349 : i32
      %select_n3A_359 = arith.select %and3A_357, %add3A_358, %rem3A_350 : i32
      %mul3A_360 = arith.constant 16 : i32
      %mul3A_361 = arith.muli %select_n3A_359, %mul3A_360 : i32
      %mul3A_362 = arith.constant 196 : i32
      %mul3A_363 = vector.broadcast %mul3A_362 : i32 to vector<16xi32>
      %mul3A_364 = arith.muli %add3A_328, %mul3A_363 : vector<16xi32>
      %mul3A_365 = arith.constant 14 : i32
      %mul3A_366 = vector.broadcast %mul3A_365 : i32 to vector<16xi32>
      %mul3A_367 = arith.muli %min3A_313, %mul3A_366 : vector<16xi32>
      %add3A_368 = arith.addi %mul3A_364, %mul3A_367 : vector<16xi32>
      %add3A_369 = arith.addi %add3A_368, %min3A_323 : vector<16xi32>
      %swap3A_370 = arith.index_cast %select_n3A : i32 to index
      %swap3A_371 = arith.index_cast %mul3A_361 : i32 to index
      %swap3A_372 = tpu.vector_load %arg10[%swap3A_370, %swap3A_371] {strides = array<i32>} : memref<14x128xi32, #tpu.memory_space<vmem>>, vector<1x16xi32>,
      %swap3A_373 = vector.shape_cast %swap3A_372 : vector<1x16xi32> to vector<16xi32>
      %swap3A_374 = vector.shape_cast %add3A_369 : vector<16xi32> to vector<1x16xi32>
      tpu.vector_store %arg10[%swap3A_370, %swap3A_371], %swap3A_374 {strides = array<i32>} : memref<14x128xi32, #tpu.memory_space<vmem>>, vector<1x16xi32>,
      %scan3A_375 = arith.constant 0 : i32
      scf.yield %scan3A_375 : i32
    }
    %scan3A_8 = arith.constant 112 : i32
    %dma_start3A = arith.constant 0 : i32
    %dma_start3A_9 = arith.constant 0 : i32
    %dma_start3A_10 = arith.constant 0 : i32
    %dma_start3A_11 = tpu.memref_slice %arg11[%dma_start3A_9, %dma_start3A_10] : memref<14x128xf32, #tpu.memory_space<vmem>> -> memref<1x128xf32, #tpu.memory_space<vmem>>
    %dma_start3A_12 = tpu.memref_squeeze %dma_start3A_11 : memref<1x128xf32, #tpu.memory_space<vmem>> -> memref<128xf32, #tpu.memory_space<vmem>>
    %dma_start3A_13 = arith.constant 0 : i32
    %dma_start3A_14 = tpu.memref_slice %arg10[%dma_start3A, %dma_start3A_13] : memref<14x128xi32, #tpu.memory_space<vmem>> -> memref<1x128xi32, #tpu.memory_space<vmem>>
    %dma_start3A_15 = tpu.memref_squeeze %dma_start3A_14 : memref<1x128xi32, #tpu.memory_space<vmem>> -> memref<128xi32, #tpu.memory_space<vmem>>
    %dma_start3A_16 = arith.constant 0 : i32
    %dma_start3A_17 = tpu.memref_slice %arg5[%dma_start3A_16] : memref<11239424xf32, #tpu.memory_space<hbm>> -> memref<11239424xf32, #tpu.memory_space<hbm>>
    tpu.enqueue_indirect_dma source(%dma_start3A_17 : memref<11239424xf32, #tpu.memory_space<hbm>>) target(%dma_start3A_12 : memref<128xf32, #tpu.memory_space<vmem>>) offsets(%dma_start3A_15 : memref<128xi32, #tpu.memory_space<vmem>>) semaphore(%arg13 : memref<!tpu.dma_semaphore, #tpu.memory_space<semaphore_mem>>)
    %dma_start3A_18 = arith.constant 1 : i32
    %dma_start3A_19 = arith.constant 1 : i32
    %dma_start3A_20 = arith.constant 0 : i32
    %dma_start3A_21 = tpu.memref_slice %arg11[%dma_start3A_19, %dma_start3A_20] : memref<14x128xf32, #tpu.memory_space<vmem>> -> memref<1x128xf32, #tpu.memory_space<vmem>>
    %dma_start3A_22 = tpu.memref_squeeze %dma_start3A_21 : memref<1x128xf32, #tpu.memory_space<vmem>> -> memref<128xf32, #tpu.memory_space<vmem>>
    %dma_start3A_23 = arith.constant 0 : i32
    %dma_start3A_24 = tpu.memref_slice %arg10[%dma_start3A_18, %dma_start3A_23] : memref<14x128xi32, #tpu.memory_space<vmem>> -> memref<1x128xi32, #tpu.memory_space<vmem>>
    %dma_start3A_25 = tpu.memref_squeeze %dma_start3A_24 : memref<1x128xi32, #tpu.memory_space<vmem>> -> memref<128xi32, #tpu.memory_space<vmem>>
    %dma_start3A_26 = arith.constant 0 : i32
    %dma_start3A_27 = tpu.memref_slice %arg5[%dma_start3A_26] : memref<11239424xf32, #tpu.memory_space<hbm>> -> memref<11239424xf32, #tpu.memory_space<hbm>>
    tpu.enqueue_indirect_dma source(%dma_start3A_27 : memref<11239424xf32, #tpu.memory_space<hbm>>) target(%dma_start3A_22 : memref<128xf32, #tpu.memory_space<vmem>>) offsets(%dma_start3A_25 : memref<128xi32, #tpu.memory_space<vmem>>) semaphore(%arg13 : memref<!tpu.dma_semaphore, #tpu.memory_space<semaphore_mem>>)
    %dma_start3A_28 = arith.constant 2 : i32
    %dma_start3A_29 = arith.constant 2 : i32
    %dma_start3A_30 = arith.constant 0 : i32
    %dma_start3A_31 = tpu.memref_slice %arg11[%dma_start3A_29, %dma_start3A_30] : memref<14x128xf32, #tpu.memory_space<vmem>> -> memref<1x128xf32, #tpu.memory_space<vmem>>
    %dma_start3A_32 = tpu.memref_squeeze %dma_start3A_31 : memref<1x128xf32, #tpu.memory_space<vmem>> -> memref<128xf32, #tpu.memory_space<vmem>>
    %dma_start3A_33 = arith.constant 0 : i32
    %dma_start3A_34 = tpu.memref_slice %arg10[%dma_start3A_28, %dma_start3A_33] : memref<14x128xi32, #tpu.memory_space<vmem>> -> memref<1x128xi32, #tpu.memory_space<vmem>>
    %dma_start3A_35 = tpu.memref_squeeze %dma_start3A_34 : memref<1x128xi32, #tpu.memory_space<vmem>> -> memref<128xi32, #tpu.memory_space<vmem>>
    %dma_start3A_36 = arith.constant 0 : i32
    %dma_start3A_37 = tpu.memref_slice %arg5[%dma_start3A_36] : memref<11239424xf32, #tpu.memory_space<hbm>> -> memref<11239424xf32, #tpu.memory_space<hbm>>
    tpu.enqueue_indirect_dma source(%dma_start3A_37 : memref<11239424xf32, #tpu.memory_space<hbm>>) target(%dma_start3A_32 : memref<128xf32, #tpu.memory_space<vmem>>) offsets(%dma_start3A_35 : memref<128xi32, #tpu.memory_space<vmem>>) semaphore(%arg13 : memref<!tpu.dma_semaphore, #tpu.memory_space<semaphore_mem>>)
    %dma_start3A_38 = arith.constant 3 : i32
    %dma_start3A_39 = arith.constant 3 : i32
    %dma_start3A_40 = arith.constant 0 : i32
    %dma_start3A_41 = tpu.memref_slice %arg11[%dma_start3A_39, %dma_start3A_40] : memref<14x128xf32, #tpu.memory_space<vmem>> -> memref<1x128xf32, #tpu.memory_space<vmem>>
    %dma_start3A_42 = tpu.memref_squeeze %dma_start3A_41 : memref<1x128xf32, #tpu.memory_space<vmem>> -> memref<128xf32, #tpu.memory_space<vmem>>
    %dma_start3A_43 = arith.constant 0 : i32
    %dma_start3A_44 = tpu.memref_slice %arg10[%dma_start3A_38, %dma_start3A_43] : memref<14x128xi32, #tpu.memory_space<vmem>> -> memref<1x128xi32, #tpu.memory_space<vmem>>
    %dma_start3A_45 = tpu.memref_squeeze %dma_start3A_44 : memref<1x128xi32, #tpu.memory_space<vmem>> -> memref<128xi32, #tpu.memory_space<vmem>>
    %dma_start3A_46 = arith.constant 0 : i32
    %dma_start3A_47 = tpu.memref_slice %arg5[%dma_start3A_46] : memref<11239424xf32, #tpu.memory_space<hbm>> -> memref<11239424xf32, #tpu.memory_space<hbm>>
    tpu.enqueue_indirect_dma source(%dma_start3A_47 : memref<11239424xf32, #tpu.memory_space<hbm>>) target(%dma_start3A_42 : memref<128xf32, #tpu.memory_space<vmem>>) offsets(%dma_start3A_45 : memref<128xi32, #tpu.memory_space<vmem>>) semaphore(%arg13 : memref<!tpu.dma_semaphore, #tpu.memory_space<semaphore_mem>>)
    %dma_start3A_48 = arith.constant 4 : i32
    %dma_start3A_49 = arith.constant 4 : i32
    %dma_start3A_50 = arith.constant 0 : i32
    %dma_start3A_51 = tpu.memref_slice %arg11[%dma_start3A_49, %dma_start3A_50] : memref<14x128xf32, #tpu.memory_space<vmem>> -> memref<1x128xf32, #tpu.memory_space<vmem>>
    %dma_start3A_52 = tpu.memref_squeeze %dma_start3A_51 : memref<1x128xf32, #tpu.memory_space<vmem>> -> memref<128xf32, #tpu.memory_space<vmem>>
    %dma_start3A_53 = arith.constant 0 : i32
    %dma_start3A_54 = tpu.memref_slice %arg10[%dma_start3A_48, %dma_start3A_53] : memref<14x128xi32, #tpu.memory_space<vmem>> -> memref<1x128xi32, #tpu.memory_space<vmem>>
    %dma_start3A_55 = tpu.memref_squeeze %dma_start3A_54 : memref<1x128xi32, #tpu.memory_space<vmem>> -> memref<128xi32, #tpu.memory_space<vmem>>
    %dma_start3A_56 = arith.constant 0 : i32
    %dma_start3A_57 = tpu.memref_slice %arg5[%dma_start3A_56] : memref<11239424xf32, #tpu.memory_space<hbm>> -> memref<11239424xf32, #tpu.memory_space<hbm>>
    tpu.enqueue_indirect_dma source(%dma_start3A_57 : memref<11239424xf32, #tpu.memory_space<hbm>>) target(%dma_start3A_52 : memref<128xf32, #tpu.memory_space<vmem>>) offsets(%dma_start3A_55 : memref<128xi32, #tpu.memory_space<vmem>>) semaphore(%arg13 : memref<!tpu.dma_semaphore, #tpu.memory_space<semaphore_mem>>)
    %dma_start3A_58 = arith.constant 5 : i32
    %dma_start3A_59 = arith.constant 5 : i32
    %dma_start3A_60 = arith.constant 0 : i32
    %dma_start3A_61 = tpu.memref_slice %arg11[%dma_start3A_59, %dma_start3A_60] : memref<14x128xf32, #tpu.memory_space<vmem>> -> memref<1x128xf32, #tpu.memory_space<vmem>>
    %dma_start3A_62 = tpu.memref_squeeze %dma_start3A_61 : memref<1x128xf32, #tpu.memory_space<vmem>> -> memref<128xf32, #tpu.memory_space<vmem>>
    %dma_start3A_63 = arith.constant 0 : i32
    %dma_start3A_64 = tpu.memref_slice %arg10[%dma_start3A_58, %dma_start3A_63] : memref<14x128xi32, #tpu.memory_space<vmem>> -> memref<1x128xi32, #tpu.memory_space<vmem>>
    %dma_start3A_65 = tpu.memref_squeeze %dma_start3A_64 : memref<1x128xi32, #tpu.memory_space<vmem>> -> memref<128xi32, #tpu.memory_space<vmem>>
    %dma_start3A_66 = arith.constant 0 : i32
    %dma_start3A_67 = tpu.memref_slice %arg5[%dma_start3A_66] : memref<11239424xf32, #tpu.memory_space<hbm>> -> memref<11239424xf32, #tpu.memory_space<hbm>>
    tpu.enqueue_indirect_dma source(%dma_start3A_67 : memref<11239424xf32, #tpu.memory_space<hbm>>) target(%dma_start3A_62 : memref<128xf32, #tpu.memory_space<vmem>>) offsets(%dma_start3A_65 : memref<128xi32, #tpu.memory_space<vmem>>) semaphore(%arg13 : memref<!tpu.dma_semaphore, #tpu.memory_space<semaphore_mem>>)
    %dma_start3A_68 = arith.constant 6 : i32
    %dma_start3A_69 = arith.constant 6 : i32
    %dma_start3A_70 = arith.constant 0 : i32
    %dma_start3A_71 = tpu.memref_slice %arg11[%dma_start3A_69, %dma_start3A_70] : memref<14x128xf32, #tpu.memory_space<vmem>> -> memref<1x128xf32, #tpu.memory_space<vmem>>
    %dma_start3A_72 = tpu.memref_squeeze %dma_start3A_71 : memref<1x128xf32, #tpu.memory_space<vmem>> -> memref<128xf32, #tpu.memory_space<vmem>>
    %dma_start3A_73 = arith.constant 0 : i32
    %dma_start3A_74 = tpu.memref_slice %arg10[%dma_start3A_68, %dma_start3A_73] : memref<14x128xi32, #tpu.memory_space<vmem>> -> memref<1x128xi32, #tpu.memory_space<vmem>>
    %dma_start3A_75 = tpu.memref_squeeze %dma_start3A_74 : memref<1x128xi32, #tpu.memory_space<vmem>> -> memref<128xi32, #tpu.memory_space<vmem>>
    %dma_start3A_76 = arith.constant 0 : i32
    %dma_start3A_77 = tpu.memref_slice %arg5[%dma_start3A_76] : memref<11239424xf32, #tpu.memory_space<hbm>> -> memref<11239424xf32, #tpu.memory_space<hbm>>
    tpu.enqueue_indirect_dma source(%dma_start3A_77 : memref<11239424xf32, #tpu.memory_space<hbm>>) target(%dma_start3A_72 : memref<128xf32, #tpu.memory_space<vmem>>) offsets(%dma_start3A_75 : memref<128xi32, #tpu.memory_space<vmem>>) semaphore(%arg13 : memref<!tpu.dma_semaphore, #tpu.memory_space<semaphore_mem>>)
    %dma_start3A_78 = arith.constant 7 : i32
    %dma_start3A_79 = arith.constant 7 : i32
    %dma_start3A_80 = arith.constant 0 : i32
    %dma_start3A_81 = tpu.memref_slice %arg11[%dma_start3A_79, %dma_start3A_80] : memref<14x128xf32, #tpu.memory_space<vmem>> -> memref<1x128xf32, #tpu.memory_space<vmem>>
    %dma_start3A_82 = tpu.memref_squeeze %dma_start3A_81 : memref<1x128xf32, #tpu.memory_space<vmem>> -> memref<128xf32, #tpu.memory_space<vmem>>
    %dma_start3A_83 = arith.constant 0 : i32
    %dma_start3A_84 = tpu.memref_slice %arg10[%dma_start3A_78, %dma_start3A_83] : memref<14x128xi32, #tpu.memory_space<vmem>> -> memref<1x128xi32, #tpu.memory_space<vmem>>
    %dma_start3A_85 = tpu.memref_squeeze %dma_start3A_84 : memref<1x128xi32, #tpu.memory_space<vmem>> -> memref<128xi32, #tpu.memory_space<vmem>>
    %dma_start3A_86 = arith.constant 0 : i32
    %dma_start3A_87 = tpu.memref_slice %arg5[%dma_start3A_86] : memref<11239424xf32, #tpu.memory_space<hbm>> -> memref<11239424xf32, #tpu.memory_space<hbm>>
    tpu.enqueue_indirect_dma source(%dma_start3A_87 : memref<11239424xf32, #tpu.memory_space<hbm>>) target(%dma_start3A_82 : memref<128xf32, #tpu.memory_space<vmem>>) offsets(%dma_start3A_85 : memref<128xi32, #tpu.memory_space<vmem>>) semaphore(%arg13 : memref<!tpu.dma_semaphore, #tpu.memory_space<semaphore_mem>>)
    %dma_start3A_88 = arith.constant 8 : i32
    %dma_start3A_89 = arith.constant 8 : i32
    %dma_start3A_90 = arith.constant 0 : i32
    %dma_start3A_91 = tpu.memref_slice %arg11[%dma_start3A_89, %dma_start3A_90] : memref<14x128xf32, #tpu.memory_space<vmem>> -> memref<1x128xf32, #tpu.memory_space<vmem>>
    %dma_start3A_92 = tpu.memref_squeeze %dma_start3A_91 : memref<1x128xf32, #tpu.memory_space<vmem>> -> memref<128xf32, #tpu.memory_space<vmem>>
    %dma_start3A_93 = arith.constant 0 : i32
    %dma_start3A_94 = tpu.memref_slice %arg10[%dma_start3A_88, %dma_start3A_93] : memref<14x128xi32, #tpu.memory_space<vmem>> -> memref<1x128xi32, #tpu.memory_space<vmem>>
    %dma_start3A_95 = tpu.memref_squeeze %dma_start3A_94 : memref<1x128xi32, #tpu.memory_space<vmem>> -> memref<128xi32, #tpu.memory_space<vmem>>
    %dma_start3A_96 = arith.constant 0 : i32
    %dma_start3A_97 = tpu.memref_slice %arg5[%dma_start3A_96] : memref<11239424xf32, #tpu.memory_space<hbm>> -> memref<11239424xf32, #tpu.memory_space<hbm>>
    tpu.enqueue_indirect_dma source(%dma_start3A_97 : memref<11239424xf32, #tpu.memory_space<hbm>>) target(%dma_start3A_92 : memref<128xf32, #tpu.memory_space<vmem>>) offsets(%dma_start3A_95 : memref<128xi32, #tpu.memory_space<vmem>>) semaphore(%arg13 : memref<!tpu.dma_semaphore, #tpu.memory_space<semaphore_mem>>)
    %dma_start3A_98 = arith.constant 9 : i32
    %dma_start3A_99 = arith.constant 9 : i32
    %dma_start3A_100 = arith.constant 0 : i32
    %dma_start3A_101 = tpu.memref_slice %arg11[%dma_start3A_99, %dma_start3A_100] : memref<14x128xf32, #tpu.memory_space<vmem>> -> memref<1x128xf32, #tpu.memory_space<vmem>>
    %dma_start3A_102 = tpu.memref_squeeze %dma_start3A_101 : memref<1x128xf32, #tpu.memory_space<vmem>> -> memref<128xf32, #tpu.memory_space<vmem>>
    %dma_start3A_103 = arith.constant 0 : i32
    %dma_start3A_104 = tpu.memref_slice %arg10[%dma_start3A_98, %dma_start3A_103] : memref<14x128xi32, #tpu.memory_space<vmem>> -> memref<1x128xi32, #tpu.memory_space<vmem>>
    %dma_start3A_105 = tpu.memref_squeeze %dma_start3A_104 : memref<1x128xi32, #tpu.memory_space<vmem>> -> memref<128xi32, #tpu.memory_space<vmem>>
    %dma_start3A_106 = arith.constant 0 : i32
    %dma_start3A_107 = tpu.memref_slice %arg5[%dma_start3A_106] : memref<11239424xf32, #tpu.memory_space<hbm>> -> memref<11239424xf32, #tpu.memory_space<hbm>>
    tpu.enqueue_indirect_dma source(%dma_start3A_107 : memref<11239424xf32, #tpu.memory_space<hbm>>) target(%dma_start3A_102 : memref<128xf32, #tpu.memory_space<vmem>>) offsets(%dma_start3A_105 : memref<128xi32, #tpu.memory_space<vmem>>) semaphore(%arg13 : memref<!tpu.dma_semaphore, #tpu.memory_space<semaphore_mem>>)
    %dma_start3A_108 = arith.constant 10 : i32
    %dma_start3A_109 = arith.constant 10 : i32
    %dma_start3A_110 = arith.constant 0 : i32
    %dma_start3A_111 = tpu.memref_slice %arg11[%dma_start3A_109, %dma_start3A_110] : memref<14x128xf32, #tpu.memory_space<vmem>> -> memref<1x128xf32, #tpu.memory_space<vmem>>
    %dma_start3A_112 = tpu.memref_squeeze %dma_start3A_111 : memref<1x128xf32, #tpu.memory_space<vmem>> -> memref<128xf32, #tpu.memory_space<vmem>>
    %dma_start3A_113 = arith.constant 0 : i32
    %dma_start3A_114 = tpu.memref_slice %arg10[%dma_start3A_108, %dma_start3A_113] : memref<14x128xi32, #tpu.memory_space<vmem>> -> memref<1x128xi32, #tpu.memory_space<vmem>>
    %dma_start3A_115 = tpu.memref_squeeze %dma_start3A_114 : memref<1x128xi32, #tpu.memory_space<vmem>> -> memref<128xi32, #tpu.memory_space<vmem>>
    %dma_start3A_116 = arith.constant 0 : i32
    %dma_start3A_117 = tpu.memref_slice %arg5[%dma_start3A_116] : memref<11239424xf32, #tpu.memory_space<hbm>> -> memref<11239424xf32, #tpu.memory_space<hbm>>
    tpu.enqueue_indirect_dma source(%dma_start3A_117 : memref<11239424xf32, #tpu.memory_space<hbm>>) target(%dma_start3A_112 : memref<128xf32, #tpu.memory_space<vmem>>) offsets(%dma_start3A_115 : memref<128xi32, #tpu.memory_space<vmem>>) semaphore(%arg13 : memref<!tpu.dma_semaphore, #tpu.memory_space<semaphore_mem>>)
    %dma_start3A_118 = arith.constant 11 : i32
    %dma_start3A_119 = arith.constant 11 : i32
    %dma_start3A_120 = arith.constant 0 : i32
    %dma_start3A_121 = tpu.memref_slice %arg11[%dma_start3A_119, %dma_start3A_120] : memref<14x128xf32, #tpu.memory_space<vmem>> -> memref<1x128xf32, #tpu.memory_space<vmem>>
    %dma_start3A_122 = tpu.memref_squeeze %dma_start3A_121 : memref<1x128xf32, #tpu.memory_space<vmem>> -> memref<128xf32, #tpu.memory_space<vmem>>
    %dma_start3A_123 = arith.constant 0 : i32
    %dma_start3A_124 = tpu.memref_slice %arg10[%dma_start3A_118, %dma_start3A_123] : memref<14x128xi32, #tpu.memory_space<vmem>> -> memref<1x128xi32, #tpu.memory_space<vmem>>
    %dma_start3A_125 = tpu.memref_squeeze %dma_start3A_124 : memref<1x128xi32, #tpu.memory_space<vmem>> -> memref<128xi32, #tpu.memory_space<vmem>>
    %dma_start3A_126 = arith.constant 0 : i32
    %dma_start3A_127 = tpu.memref_slice %arg5[%dma_start3A_126] : memref<11239424xf32, #tpu.memory_space<hbm>> -> memref<11239424xf32, #tpu.memory_space<hbm>>
    tpu.enqueue_indirect_dma source(%dma_start3A_127 : memref<11239424xf32, #tpu.memory_space<hbm>>) target(%dma_start3A_122 : memref<128xf32, #tpu.memory_space<vmem>>) offsets(%dma_start3A_125 : memref<128xi32, #tpu.memory_space<vmem>>) semaphore(%arg13 : memref<!tpu.dma_semaphore, #tpu.memory_space<semaphore_mem>>)
    %dma_start3A_128 = arith.constant 12 : i32
    %dma_start3A_129 = arith.constant 12 : i32
    %dma_start3A_130 = arith.constant 0 : i32
    %dma_start3A_131 = tpu.memref_slice %arg11[%dma_start3A_129, %dma_start3A_130] : memref<14x128xf32, #tpu.memory_space<vmem>> -> memref<1x128xf32, #tpu.memory_space<vmem>>
    %dma_start3A_132 = tpu.memref_squeeze %dma_start3A_131 : memref<1x128xf32, #tpu.memory_space<vmem>> -> memref<128xf32, #tpu.memory_space<vmem>>
    %dma_start3A_133 = arith.constant 0 : i32
    %dma_start3A_134 = tpu.memref_slice %arg10[%dma_start3A_128, %dma_start3A_133] : memref<14x128xi32, #tpu.memory_space<vmem>> -> memref<1x128xi32, #tpu.memory_space<vmem>>
    %dma_start3A_135 = tpu.memref_squeeze %dma_start3A_134 : memref<1x128xi32, #tpu.memory_space<vmem>> -> memref<128xi32, #tpu.memory_space<vmem>>
    %dma_start3A_136 = arith.constant 0 : i32
    %dma_start3A_137 = tpu.memref_slice %arg5[%dma_start3A_136] : memref<11239424xf32, #tpu.memory_space<hbm>> -> memref<11239424xf32, #tpu.memory_space<hbm>>
    tpu.enqueue_indirect_dma source(%dma_start3A_137 : memref<11239424xf32, #tpu.memory_space<hbm>>) target(%dma_start3A_132 : memref<128xf32, #tpu.memory_space<vmem>>) offsets(%dma_start3A_135 : memref<128xi32, #tpu.memory_space<vmem>>) semaphore(%arg13 : memref<!tpu.dma_semaphore, #tpu.memory_space<semaphore_mem>>)
    %dma_start3A_138 = arith.constant 13 : i32
    %dma_start3A_139 = arith.constant 13 : i32
    %dma_start3A_140 = arith.constant 0 : i32
    %dma_start3A_141 = tpu.memref_slice %arg11[%dma_start3A_139, %dma_start3A_140] : memref<14x128xf32, #tpu.memory_space<vmem>> -> memref<1x128xf32, #tpu.memory_space<vmem>>
    %dma_start3A_142 = tpu.memref_squeeze %dma_start3A_141 : memref<1x128xf32, #tpu.memory_space<vmem>> -> memref<128xf32, #tpu.memory_space<vmem>>
    %dma_start3A_143 = arith.constant 0 : i32
    %dma_start3A_144 = tpu.memref_slice %arg10[%dma_start3A_138, %dma_start3A_143] : memref<14x128xi32, #tpu.memory_space<vmem>> -> memref<1x128xi32, #tpu.memory_space<vmem>>
    %dma_start3A_145 = tpu.memref_squeeze %dma_start3A_144 : memref<1x128xi32, #tpu.memory_space<vmem>> -> memref<128xi32, #tpu.memory_space<vmem>>
    %dma_start3A_146 = arith.constant 0 : i32
    %dma_start3A_147 = tpu.memref_slice %arg5[%dma_start3A_146] : memref<11239424xf32, #tpu.memory_space<hbm>> -> memref<11239424xf32, #tpu.memory_space<hbm>>
    tpu.enqueue_indirect_dma source(%dma_start3A_147 : memref<11239424xf32, #tpu.memory_space<hbm>>) target(%dma_start3A_142 : memref<128xf32, #tpu.memory_space<vmem>>) offsets(%dma_start3A_145 : memref<128xi32, #tpu.memory_space<vmem>>) semaphore(%arg13 : memref<!tpu.dma_semaphore, #tpu.memory_space<semaphore_mem>>)
    %dma_wait3A = arith.constant 0 : i32
    %dma_wait3A_148 = arith.constant 0 : i32
    %dma_wait3A_149 = arith.constant 0 : i32
    %dma_wait3A_150 = tpu.memref_slice %arg11[%dma_wait3A_148, %dma_wait3A_149] : memref<14x128xf32, #tpu.memory_space<vmem>> -> memref<1x128xf32, #tpu.memory_space<vmem>>
    %dma_wait3A_151 = tpu.memref_squeeze %dma_wait3A_150 : memref<1x128xf32, #tpu.memory_space<vmem>> -> memref<128xf32, #tpu.memory_space<vmem>>
    %dma_wait3A_152 = arith.constant 0 : i32
    %dma_wait3A_153 = tpu.memref_slice %arg10[%dma_wait3A, %dma_wait3A_152] : memref<14x128xi32, #tpu.memory_space<vmem>> -> memref<1x128xi32, #tpu.memory_space<vmem>>
    %dma_wait3A_154 = tpu.memref_squeeze %dma_wait3A_153 : memref<1x128xi32, #tpu.memory_space<vmem>> -> memref<128xi32, #tpu.memory_space<vmem>>
    %dma_wait3A_155 = arith.constant 0 : i32
    %dma_wait3A_156 = tpu.memref_slice %arg5[%dma_wait3A_155] : memref<11239424xf32, #tpu.memory_space<hbm>> -> memref<11239424xf32, #tpu.memory_space<hbm>>
    tpu.wait_indirect_dma semaphore(%arg13 : memref<!tpu.dma_semaphore, #tpu.memory_space<semaphore_mem>>) src(%dma_wait3A_156 : memref<11239424xf32, #tpu.memory_space<hbm>>) dst(%dma_wait3A_151 : memref<128xf32, #tpu.memory_space<vmem>>)
    %dma_wait3A_157 = arith.constant 1 : i32
    %dma_wait3A_158 = arith.constant 1 : i32
    %dma_wait3A_159 = arith.constant 0 : i32
    %dma_wait3A_160 = tpu.memref_slice %arg11[%dma_wait3A_158, %dma_wait3A_159] : memref<14x128xf32, #tpu.memory_space<vmem>> -> memref<1x128xf32, #tpu.memory_space<vmem>>
    %dma_wait3A_161 = tpu.memref_squeeze %dma_wait3A_160 : memref<1x128xf32, #tpu.memory_space<vmem>> -> memref<128xf32, #tpu.memory_space<vmem>>
    %dma_wait3A_162 = arith.constant 0 : i32
    %dma_wait3A_163 = tpu.memref_slice %arg10[%dma_wait3A_157, %dma_wait3A_162] : memref<14x128xi32, #tpu.memory_space<vmem>> -> memref<1x128xi32, #tpu.memory_space<vmem>>
    %dma_wait3A_164 = tpu.memref_squeeze %dma_wait3A_163 : memref<1x128xi32, #tpu.memory_space<vmem>> -> memref<128xi32, #tpu.memory_space<vmem>>
    %dma_wait3A_165 = arith.constant 0 : i32
    %dma_wait3A_166 = tpu.memref_slice %arg5[%dma_wait3A_165] : memref<11239424xf32, #tpu.memory_space<hbm>> -> memref<11239424xf32, #tpu.memory_space<hbm>>
    tpu.wait_indirect_dma semaphore(%arg13 : memref<!tpu.dma_semaphore, #tpu.memory_space<semaphore_mem>>) src(%dma_wait3A_166 : memref<11239424xf32, #tpu.memory_space<hbm>>) dst(%dma_wait3A_161 : memref<128xf32, #tpu.memory_space<vmem>>)
    %dma_wait3A_167 = arith.constant 2 : i32
    %dma_wait3A_168 = arith.constant 2 : i32
    %dma_wait3A_169 = arith.constant 0 : i32
    %dma_wait3A_170 = tpu.memref_slice %arg11[%dma_wait3A_168, %dma_wait3A_169] : memref<14x128xf32, #tpu.memory_space<vmem>> -> memref<1x128xf32, #tpu.memory_space<vmem>>
    %dma_wait3A_171 = tpu.memref_squeeze %dma_wait3A_170 : memref<1x128xf32, #tpu.memory_space<vmem>> -> memref<128xf32, #tpu.memory_space<vmem>>
    %dma_wait3A_172 = arith.constant 0 : i32
    %dma_wait3A_173 = tpu.memref_slice %arg10[%dma_wait3A_167, %dma_wait3A_172] : memref<14x128xi32, #tpu.memory_space<vmem>> -> memref<1x128xi32, #tpu.memory_space<vmem>>
    %dma_wait3A_174 = tpu.memref_squeeze %dma_wait3A_173 : memref<1x128xi32, #tpu.memory_space<vmem>> -> memref<128xi32, #tpu.memory_space<vmem>>
    %dma_wait3A_175 = arith.constant 0 : i32
    %dma_wait3A_176 = tpu.memref_slice %arg5[%dma_wait3A_175] : memref<11239424xf32, #tpu.memory_space<hbm>> -> memref<11239424xf32, #tpu.memory_space<hbm>>
    tpu.wait_indirect_dma semaphore(%arg13 : memref<!tpu.dma_semaphore, #tpu.memory_space<semaphore_mem>>) src(%dma_wait3A_176 : memref<11239424xf32, #tpu.memory_space<hbm>>) dst(%dma_wait3A_171 : memref<128xf32, #tpu.memory_space<vmem>>)
    %dma_wait3A_177 = arith.constant 3 : i32
    %dma_wait3A_178 = arith.constant 3 : i32
    %dma_wait3A_179 = arith.constant 0 : i32
    %dma_wait3A_180 = tpu.memref_slice %arg11[%dma_wait3A_178, %dma_wait3A_179] : memref<14x128xf32, #tpu.memory_space<vmem>> -> memref<1x128xf32, #tpu.memory_space<vmem>>
    %dma_wait3A_181 = tpu.memref_squeeze %dma_wait3A_180 : memref<1x128xf32, #tpu.memory_space<vmem>> -> memref<128xf32, #tpu.memory_space<vmem>>
    %dma_wait3A_182 = arith.constant 0 : i32
    %dma_wait3A_183 = tpu.memref_slice %arg10[%dma_wait3A_177, %dma_wait3A_182] : memref<14x128xi32, #tpu.memory_space<vmem>> -> memref<1x128xi32, #tpu.memory_space<vmem>>
    %dma_wait3A_184 = tpu.memref_squeeze %dma_wait3A_183 : memref<1x128xi32, #tpu.memory_space<vmem>> -> memref<128xi32, #tpu.memory_space<vmem>>
    %dma_wait3A_185 = arith.constant 0 : i32
    %dma_wait3A_186 = tpu.memref_slice %arg5[%dma_wait3A_185] : memref<11239424xf32, #tpu.memory_space<hbm>> -> memref<11239424xf32, #tpu.memory_space<hbm>>
    tpu.wait_indirect_dma semaphore(%arg13 : memref<!tpu.dma_semaphore, #tpu.memory_space<semaphore_mem>>) src(%dma_wait3A_186 : memref<11239424xf32, #tpu.memory_space<hbm>>) dst(%dma_wait3A_181 : memref<128xf32, #tpu.memory_space<vmem>>)
    %dma_wait3A_187 = arith.constant 4 : i32
    %dma_wait3A_188 = arith.constant 4 : i32
    %dma_wait3A_189 = arith.constant 0 : i32
    %dma_wait3A_190 = tpu.memref_slice %arg11[%dma_wait3A_188, %dma_wait3A_189] : memref<14x128xf32, #tpu.memory_space<vmem>> -> memref<1x128xf32, #tpu.memory_space<vmem>>
    %dma_wait3A_191 = tpu.memref_squeeze %dma_wait3A_190 : memref<1x128xf32, #tpu.memory_space<vmem>> -> memref<128xf32, #tpu.memory_space<vmem>>
    %dma_wait3A_192 = arith.constant 0 : i32
    %dma_wait3A_193 = tpu.memref_slice %arg10[%dma_wait3A_187, %dma_wait3A_192] : memref<14x128xi32, #tpu.memory_space<vmem>> -> memref<1x128xi32, #tpu.memory_space<vmem>>
    %dma_wait3A_194 = tpu.memref_squeeze %dma_wait3A_193 : memref<1x128xi32, #tpu.memory_space<vmem>> -> memref<128xi32, #tpu.memory_space<vmem>>
    %dma_wait3A_195 = arith.constant 0 : i32
    %dma_wait3A_196 = tpu.memref_slice %arg5[%dma_wait3A_195] : memref<11239424xf32, #tpu.memory_space<hbm>> -> memref<11239424xf32, #tpu.memory_space<hbm>>
    tpu.wait_indirect_dma semaphore(%arg13 : memref<!tpu.dma_semaphore, #tpu.memory_space<semaphore_mem>>) src(%dma_wait3A_196 : memref<11239424xf32, #tpu.memory_space<hbm>>) dst(%dma_wait3A_191 : memref<128xf32, #tpu.memory_space<vmem>>)
    %dma_wait3A_197 = arith.constant 5 : i32
    %dma_wait3A_198 = arith.constant 5 : i32
    %dma_wait3A_199 = arith.constant 0 : i32
    %dma_wait3A_200 = tpu.memref_slice %arg11[%dma_wait3A_198, %dma_wait3A_199] : memref<14x128xf32, #tpu.memory_space<vmem>> -> memref<1x128xf32, #tpu.memory_space<vmem>>
    %dma_wait3A_201 = tpu.memref_squeeze %dma_wait3A_200 : memref<1x128xf32, #tpu.memory_space<vmem>> -> memref<128xf32, #tpu.memory_space<vmem>>
    %dma_wait3A_202 = arith.constant 0 : i32
    %dma_wait3A_203 = tpu.memref_slice %arg10[%dma_wait3A_197, %dma_wait3A_202] : memref<14x128xi32, #tpu.memory_space<vmem>> -> memref<1x128xi32, #tpu.memory_space<vmem>>
    %dma_wait3A_204 = tpu.memref_squeeze %dma_wait3A_203 : memref<1x128xi32, #tpu.memory_space<vmem>> -> memref<128xi32, #tpu.memory_space<vmem>>
    %dma_wait3A_205 = arith.constant 0 : i32
    %dma_wait3A_206 = tpu.memref_slice %arg5[%dma_wait3A_205] : memref<11239424xf32, #tpu.memory_space<hbm>> -> memref<11239424xf32, #tpu.memory_space<hbm>>
    tpu.wait_indirect_dma semaphore(%arg13 : memref<!tpu.dma_semaphore, #tpu.memory_space<semaphore_mem>>) src(%dma_wait3A_206 : memref<11239424xf32, #tpu.memory_space<hbm>>) dst(%dma_wait3A_201 : memref<128xf32, #tpu.memory_space<vmem>>)
    %dma_wait3A_207 = arith.constant 6 : i32
    %dma_wait3A_208 = arith.constant 6 : i32
    %dma_wait3A_209 = arith.constant 0 : i32
    %dma_wait3A_210 = tpu.memref_slice %arg11[%dma_wait3A_208, %dma_wait3A_209] : memref<14x128xf32, #tpu.memory_space<vmem>> -> memref<1x128xf32, #tpu.memory_space<vmem>>
    %dma_wait3A_211 = tpu.memref_squeeze %dma_wait3A_210 : memref<1x128xf32, #tpu.memory_space<vmem>> -> memref<128xf32, #tpu.memory_space<vmem>>
    %dma_wait3A_212 = arith.constant 0 : i32
    %dma_wait3A_213 = tpu.memref_slice %arg10[%dma_wait3A_207, %dma_wait3A_212] : memref<14x128xi32, #tpu.memory_space<vmem>> -> memref<1x128xi32, #tpu.memory_space<vmem>>
    %dma_wait3A_214 = tpu.memref_squeeze %dma_wait3A_213 : memref<1x128xi32, #tpu.memory_space<vmem>> -> memref<128xi32, #tpu.memory_space<vmem>>
    %dma_wait3A_215 = arith.constant 0 : i32
    %dma_wait3A_216 = tpu.memref_slice %arg5[%dma_wait3A_215] : memref<11239424xf32, #tpu.memory_space<hbm>> -> memref<11239424xf32, #tpu.memory_space<hbm>>
    tpu.wait_indirect_dma semaphore(%arg13 : memref<!tpu.dma_semaphore, #tpu.memory_space<semaphore_mem>>) src(%dma_wait3A_216 : memref<11239424xf32, #tpu.memory_space<hbm>>) dst(%dma_wait3A_211 : memref<128xf32, #tpu.memory_space<vmem>>)
    %dma_wait3A_217 = arith.constant 7 : i32
    %dma_wait3A_218 = arith.constant 7 : i32
    %dma_wait3A_219 = arith.constant 0 : i32
    %dma_wait3A_220 = tpu.memref_slice %arg11[%dma_wait3A_218, %dma_wait3A_219] : memref<14x128xf32, #tpu.memory_space<vmem>> -> memref<1x128xf32, #tpu.memory_space<vmem>>
    %dma_wait3A_221 = tpu.memref_squeeze %dma_wait3A_220 : memref<1x128xf32, #tpu.memory_space<vmem>> -> memref<128xf32, #tpu.memory_space<vmem>>
    %dma_wait3A_222 = arith.constant 0 : i32
    %dma_wait3A_223 = tpu.memref_slice %arg10[%dma_wait3A_217, %dma_wait3A_222] : memref<14x128xi32, #tpu.memory_space<vmem>> -> memref<1x128xi32, #tpu.memory_space<vmem>>
    %dma_wait3A_224 = tpu.memref_squeeze %dma_wait3A_223 : memref<1x128xi32, #tpu.memory_space<vmem>> -> memref<128xi32, #tpu.memory_space<vmem>>
    %dma_wait3A_225 = arith.constant 0 : i32
    %dma_wait3A_226 = tpu.memref_slice %arg5[%dma_wait3A_225] : memref<11239424xf32, #tpu.memory_space<hbm>> -> memref<11239424xf32, #tpu.memory_space<hbm>>
    tpu.wait_indirect_dma semaphore(%arg13 : memref<!tpu.dma_semaphore, #tpu.memory_space<semaphore_mem>>) src(%dma_wait3A_226 : memref<11239424xf32, #tpu.memory_space<hbm>>) dst(%dma_wait3A_221 : memref<128xf32, #tpu.memory_space<vmem>>)
    %dma_wait3A_227 = arith.constant 8 : i32
    %dma_wait3A_228 = arith.constant 8 : i32
    %dma_wait3A_229 = arith.constant 0 : i32
    %dma_wait3A_230 = tpu.memref_slice %arg11[%dma_wait3A_228, %dma_wait3A_229] : memref<14x128xf32, #tpu.memory_space<vmem>> -> memref<1x128xf32, #tpu.memory_space<vmem>>
    %dma_wait3A_231 = tpu.memref_squeeze %dma_wait3A_230 : memref<1x128xf32, #tpu.memory_space<vmem>> -> memref<128xf32, #tpu.memory_space<vmem>>
    %dma_wait3A_232 = arith.constant 0 : i32
    %dma_wait3A_233 = tpu.memref_slice %arg10[%dma_wait3A_227, %dma_wait3A_232] : memref<14x128xi32, #tpu.memory_space<vmem>> -> memref<1x128xi32, #tpu.memory_space<vmem>>
    %dma_wait3A_234 = tpu.memref_squeeze %dma_wait3A_233 : memref<1x128xi32, #tpu.memory_space<vmem>> -> memref<128xi32, #tpu.memory_space<vmem>>
    %dma_wait3A_235 = arith.constant 0 : i32
    %dma_wait3A_236 = tpu.memref_slice %arg5[%dma_wait3A_235] : memref<11239424xf32, #tpu.memory_space<hbm>> -> memref<11239424xf32, #tpu.memory_space<hbm>>
    tpu.wait_indirect_dma semaphore(%arg13 : memref<!tpu.dma_semaphore, #tpu.memory_space<semaphore_mem>>) src(%dma_wait3A_236 : memref<11239424xf32, #tpu.memory_space<hbm>>) dst(%dma_wait3A_231 : memref<128xf32, #tpu.memory_space<vmem>>)
    %dma_wait3A_237 = arith.constant 9 : i32
    %dma_wait3A_238 = arith.constant 9 : i32
    %dma_wait3A_239 = arith.constant 0 : i32
    %dma_wait3A_240 = tpu.memref_slice %arg11[%dma_wait3A_238, %dma_wait3A_239] : memref<14x128xf32, #tpu.memory_space<vmem>> -> memref<1x128xf32, #tpu.memory_space<vmem>>
    %dma_wait3A_241 = tpu.memref_squeeze %dma_wait3A_240 : memref<1x128xf32, #tpu.memory_space<vmem>> -> memref<128xf32, #tpu.memory_space<vmem>>
    %dma_wait3A_242 = arith.constant 0 : i32
    %dma_wait3A_243 = tpu.memref_slice %arg10[%dma_wait3A_237, %dma_wait3A_242] : memref<14x128xi32, #tpu.memory_space<vmem>> -> memref<1x128xi32, #tpu.memory_space<vmem>>
    %dma_wait3A_244 = tpu.memref_squeeze %dma_wait3A_243 : memref<1x128xi32, #tpu.memory_space<vmem>> -> memref<128xi32, #tpu.memory_space<vmem>>
    %dma_wait3A_245 = arith.constant 0 : i32
    %dma_wait3A_246 = tpu.memref_slice %arg5[%dma_wait3A_245] : memref<11239424xf32, #tpu.memory_space<hbm>> -> memref<11239424xf32, #tpu.memory_space<hbm>>
    tpu.wait_indirect_dma semaphore(%arg13 : memref<!tpu.dma_semaphore, #tpu.memory_space<semaphore_mem>>) src(%dma_wait3A_246 : memref<11239424xf32, #tpu.memory_space<hbm>>) dst(%dma_wait3A_241 : memref<128xf32, #tpu.memory_space<vmem>>)
    %dma_wait3A_247 = arith.constant 10 : i32
    %dma_wait3A_248 = arith.constant 10 : i32
    %dma_wait3A_249 = arith.constant 0 : i32
    %dma_wait3A_250 = tpu.memref_slice %arg11[%dma_wait3A_248, %dma_wait3A_249] : memref<14x128xf32, #tpu.memory_space<vmem>> -> memref<1x128xf32, #tpu.memory_space<vmem>>
    %dma_wait3A_251 = tpu.memref_squeeze %dma_wait3A_250 : memref<1x128xf32, #tpu.memory_space<vmem>> -> memref<128xf32, #tpu.memory_space<vmem>>
    %dma_wait3A_252 = arith.constant 0 : i32
    %dma_wait3A_253 = tpu.memref_slice %arg10[%dma_wait3A_247, %dma_wait3A_252] : memref<14x128xi32, #tpu.memory_space<vmem>> -> memref<1x128xi32, #tpu.memory_space<vmem>>
    %dma_wait3A_254 = tpu.memref_squeeze %dma_wait3A_253 : memref<1x128xi32, #tpu.memory_space<vmem>> -> memref<128xi32, #tpu.memory_space<vmem>>
    %dma_wait3A_255 = arith.constant 0 : i32
    %dma_wait3A_256 = tpu.memref_slice %arg5[%dma_wait3A_255] : memref<11239424xf32, #tpu.memory_space<hbm>> -> memref<11239424xf32, #tpu.memory_space<hbm>>
    tpu.wait_indirect_dma semaphore(%arg13 : memref<!tpu.dma_semaphore, #tpu.memory_space<semaphore_mem>>) src(%dma_wait3A_256 : memref<11239424xf32, #tpu.memory_space<hbm>>) dst(%dma_wait3A_251 : memref<128xf32, #tpu.memory_space<vmem>>)
    %dma_wait3A_257 = arith.constant 11 : i32
    %dma_wait3A_258 = arith.constant 11 : i32
    %dma_wait3A_259 = arith.constant 0 : i32
    %dma_wait3A_260 = tpu.memref_slice %arg11[%dma_wait3A_258, %dma_wait3A_259] : memref<14x128xf32, #tpu.memory_space<vmem>> -> memref<1x128xf32, #tpu.memory_space<vmem>>
    %dma_wait3A_261 = tpu.memref_squeeze %dma_wait3A_260 : memref<1x128xf32, #tpu.memory_space<vmem>> -> memref<128xf32, #tpu.memory_space<vmem>>
    %dma_wait3A_262 = arith.constant 0 : i32
    %dma_wait3A_263 = tpu.memref_slice %arg10[%dma_wait3A_257, %dma_wait3A_262] : memref<14x128xi32, #tpu.memory_space<vmem>> -> memref<1x128xi32, #tpu.memory_space<vmem>>
    %dma_wait3A_264 = tpu.memref_squeeze %dma_wait3A_263 : memref<1x128xi32, #tpu.memory_space<vmem>> -> memref<128xi32, #tpu.memory_space<vmem>>
    %dma_wait3A_265 = arith.constant 0 : i32
    %dma_wait3A_266 = tpu.memref_slice %arg5[%dma_wait3A_265] : memref<11239424xf32, #tpu.memory_space<hbm>> -> memref<11239424xf32, #tpu.memory_space<hbm>>
    tpu.wait_indirect_dma semaphore(%arg13 : memref<!tpu.dma_semaphore, #tpu.memory_space<semaphore_mem>>) src(%dma_wait3A_266 : memref<11239424xf32, #tpu.memory_space<hbm>>) dst(%dma_wait3A_261 : memref<128xf32, #tpu.memory_space<vmem>>)
    %dma_wait3A_267 = arith.constant 12 : i32
    %dma_wait3A_268 = arith.constant 12 : i32
    %dma_wait3A_269 = arith.constant 0 : i32
    %dma_wait3A_270 = tpu.memref_slice %arg11[%dma_wait3A_268, %dma_wait3A_269] : memref<14x128xf32, #tpu.memory_space<vmem>> -> memref<1x128xf32, #tpu.memory_space<vmem>>
    %dma_wait3A_271 = tpu.memref_squeeze %dma_wait3A_270 : memref<1x128xf32, #tpu.memory_space<vmem>> -> memref<128xf32, #tpu.memory_space<vmem>>
    %dma_wait3A_272 = arith.constant 0 : i32
    %dma_wait3A_273 = tpu.memref_slice %arg10[%dma_wait3A_267, %dma_wait3A_272] : memref<14x128xi32, #tpu.memory_space<vmem>> -> memref<1x128xi32, #tpu.memory_space<vmem>>
    %dma_wait3A_274 = tpu.memref_squeeze %dma_wait3A_273 : memref<1x128xi32, #tpu.memory_space<vmem>> -> memref<128xi32, #tpu.memory_space<vmem>>
    %dma_wait3A_275 = arith.constant 0 : i32
    %dma_wait3A_276 = tpu.memref_slice %arg5[%dma_wait3A_275] : memref<11239424xf32, #tpu.memory_space<hbm>> -> memref<11239424xf32, #tpu.memory_space<hbm>>
    tpu.wait_indirect_dma semaphore(%arg13 : memref<!tpu.dma_semaphore, #tpu.memory_space<semaphore_mem>>) src(%dma_wait3A_276 : memref<11239424xf32, #tpu.memory_space<hbm>>) dst(%dma_wait3A_271 : memref<128xf32, #tpu.memory_space<vmem>>)
    %dma_wait3A_277 = arith.constant 13 : i32
    %dma_wait3A_278 = arith.constant 13 : i32
    %dma_wait3A_279 = arith.constant 0 : i32
    %dma_wait3A_280 = tpu.memref_slice %arg11[%dma_wait3A_278, %dma_wait3A_279] : memref<14x128xf32, #tpu.memory_space<vmem>> -> memref<1x128xf32, #tpu.memory_space<vmem>>
    %dma_wait3A_281 = tpu.memref_squeeze %dma_wait3A_280 : memref<1x128xf32, #tpu.memory_space<vmem>> -> memref<128xf32, #tpu.memory_space<vmem>>
    %dma_wait3A_282 = arith.constant 0 : i32
    %dma_wait3A_283 = tpu.memref_slice %arg10[%dma_wait3A_277, %dma_wait3A_282] : memref<14x128xi32, #tpu.memory_space<vmem>> -> memref<1x128xi32, #tpu.memory_space<vmem>>
    %dma_wait3A_284 = tpu.memref_squeeze %dma_wait3A_283 : memref<1x128xi32, #tpu.memory_space<vmem>> -> memref<128xi32, #tpu.memory_space<vmem>>
    %dma_wait3A_285 = arith.constant 0 : i32
    %dma_wait3A_286 = tpu.memref_slice %arg5[%dma_wait3A_285] : memref<11239424xf32, #tpu.memory_space<hbm>> -> memref<11239424xf32, #tpu.memory_space<hbm>>
    tpu.wait_indirect_dma semaphore(%arg13 : memref<!tpu.dma_semaphore, #tpu.memory_space<semaphore_mem>>) src(%dma_wait3A_286 : memref<11239424xf32, #tpu.memory_space<hbm>>) dst(%dma_wait3A_281 : memref<128xf32, #tpu.memory_space<vmem>>)
    %broadcast_in_dim3A = arith.constant 0.000000e+00 : f32
    %broadcast_in_dim3A_287 = vector.broadcast %broadcast_in_dim3A : f32 to vector<16xf32>
    %scan3A_288 = arith.constant 0 : i32
    %scan3A_289 = arith.constant 112 : i32
    %scan3A_290 = arith.addi %scan3A_288, %scan3A_289 : i32
    %scan3A_291 = arith.constant 1 : i32
    %scan3A_292 = scf.for %scan3A_297 = %scan3A_288 to %scan3A_290 step %scan3A_291 iter_args(%scan3A_298 = %broadcast_in_dim3A_287) -> (vector<16xf32>)  : i32 {
      %jit3A = arith.constant 8 : i32
      %div3A = arith.divsi %scan3A_297, %jit3A : i32
      %sign3A = arith.constant 0 : i32
      %sign3A_299 = arith.cmpi sgt, %scan3A_297, %sign3A : i32
      %sign3A_300 = arith.extui %sign3A_299 : i1 to i32
      %sign3A_301 = arith.constant 0 : i32
      %sign3A_302 = arith.cmpi slt, %scan3A_297, %sign3A_301 : i32
      %sign3A_303 = arith.extui %sign3A_302 : i1 to i32
      %sign3A_304 = arith.subi %sign3A_300, %sign3A_303 : i32
      %sign3A_305 = arith.constant 0 : i32
      %sign3A_306 = arith.cmpi sgt, %jit3A, %sign3A_305 : i32
      %sign3A_307 = arith.extui %sign3A_306 : i1 to i32
      %sign3A_308 = arith.constant 0 : i32
      %sign3A_309 = arith.cmpi slt, %jit3A, %sign3A_308 : i32
      %sign3A_310 = arith.extui %sign3A_309 : i1 to i32
      %sign3A_311 = arith.subi %sign3A_307, %sign3A_310 : i32
      %ne3A = arith.cmpi ne, %sign3A_304, %sign3A_311 : i32
      %rem3A = arith.remsi %scan3A_297, %jit3A : i32
      %ne3A_312 = arith.constant 0 : i32
      %ne3A_313 = arith.cmpi ne, %rem3A, %ne3A_312 : i32
      %and3A = arith.andi %ne3A, %ne3A_313 : i1
      %sub3A = arith.constant 1 : i32
      %sub3A_314 = arith.subi %div3A, %sub3A : i32
      %select_n3A = arith.select %and3A, %sub3A_314, %div3A : i32
      %jit3A_315 = arith.constant 8 : i32
      %eq3A = arith.constant 0 : i32
      %eq3A_316 = arith.cmpi eq, %jit3A_315, %eq3A : i32
      %jit3A_317 = arith.constant 1 : i32
      %select_n3A_318 = arith.select %eq3A_316, %jit3A_317, %jit3A_315 : i32
      %rem3A_319 = arith.remsi %scan3A_297, %select_n3A_318 : i32
      %ne3A_320 = arith.constant 0 : i32
      %ne3A_321 = arith.cmpi ne, %rem3A_319, %ne3A_320 : i32
      %lt3A = arith.constant 0 : i32
      %lt3A_322 = arith.cmpi slt, %rem3A_319, %lt3A : i32
      %lt3A_323 = arith.constant 0 : i32
      %lt3A_324 = arith.cmpi slt, %select_n3A_318, %lt3A_323 : i32
      %ne3A_325 = arith.xori %lt3A_322, %lt3A_324 : i1
      %and3A_326 = arith.andi %ne3A_325, %ne3A_321 : i1
      %add3A_327 = arith.addi %rem3A_319, %select_n3A_318 : i32
      %select_n3A_328 = arith.select %and3A_326, %add3A_327, %rem3A_319 : i32
      %mul3A_329 = arith.constant 16 : i32
      %mul3A_330 = arith.muli %select_n3A_328, %mul3A_329 : i32
      %get3A = arith.index_cast %select_n3A : i32 to index
      %get3A_331 = arith.index_cast %mul3A_330 : i32 to index
      %get3A_332 = tpu.vector_load %arg11[%get3A, %get3A_331] {strides = array<i32>} : memref<14x128xf32, #tpu.memory_space<vmem>>, vector<1x16xf32>,
      %get3A_333 = vector.shape_cast %get3A_332 : vector<1x16xf32> to vector<16xf32>
      %mul3A_334 = arith.constant 16 : i32
      %mul3A_335 = arith.muli %scan3A_297, %mul3A_334 : i32
      %get3A_336 = arith.index_cast %mul3A_335 : i32 to index
      %get3A_337 = tpu.vector_load %arg9[%get3A_336] {strides = array<i32>} : memref<1792xi32, #tpu.memory_space<vmem>>, vector<16xi32>,
      %get3A_338 = vector.shape_cast %get3A_337 : vector<16xi32> to vector<16xi32>
      %eq3A_339 = arith.constant 1 : i32
      %eq3A_340 = vector.broadcast %eq3A_339 : i32 to vector<16xi32>
      %eq3A_341 = arith.cmpi eq, %get3A_338, %eq3A_340 : vector<16xi32>
      %mul3A_342 = arith.constant 2.000000e+00 : f32
      %mul3A_343 = vector.broadcast %mul3A_342 : f32 to vector<16xf32>
      %mul3A_344 = arith.mulf %mul3A_343, %get3A_333 : vector<16xf32>
      %sub3A_345 = arith.constant 1.000000e+00 : f32
      %sub3A_346 = vector.broadcast %sub3A_345 : f32 to vector<16xf32>
      %sub3A_347 = arith.subf %sub3A_346, %mul3A_344 : vector<16xf32>
      %jit3A_348 = arith.constant 0.000000e+00 : f32
      %broadcast_in_dim3A_349 = vector.broadcast %jit3A_348 : f32 to vector<16xf32>
      %select_n3A_350 = arith.select %eq3A_341, %sub3A_347, %broadcast_in_dim3A_349 : vector<16xi1>, vector<16xf32>
      %add3A_351 = arith.addf %scan3A_298, %select_n3A_350 : vector<16xf32>
      scf.yield %add3A_351 : vector<16xf32>
    }
    %scan3A_293 = arith.constant 112 : i32
    %swap3A = arith.constant 0 : index
    %swap3A_294 = tpu.vector_load %arg12[%swap3A] {strides = array<i32>} : memref<16xf32, #tpu.memory_space<vmem>>, vector<16xf32>,
    %swap3A_295 = vector.shape_cast %swap3A_294 : vector<16xf32> to vector<16xf32>
    %swap3A_296 = vector.shape_cast %scan3A_292 : vector<16xf32> to vector<16xf32>
    tpu.vector_store %arg12[%swap3A], %swap3A_296 {strides = array<i32>} : memref<16xf32, #tpu.memory_space<vmem>>, vector<16xf32>,
    "tpu.region"() ({
      %run_scoped3A = tpu.sem_alloc : memref<!tpu.dma_semaphore, #tpu.memory_space<semaphore_mem>>
      %dma_start3A_297 = arith.constant 0 : i32
      %dma_start3A_298 = tpu.memref_slice %arg6[%add3A, %dma_start3A_297] : memref<32x16xf32, #tpu.memory_space<hbm>> -> memref<1x16xf32, #tpu.memory_space<hbm>>
      %dma_start3A_299 = tpu.memref_squeeze %dma_start3A_298 : memref<1x16xf32, #tpu.memory_space<hbm>> -> memref<16xf32, #tpu.memory_space<hbm>>
      %dma_start3A_300 = arith.constant 0 : i32
      %dma_start3A_301 = tpu.memref_slice %arg6[%add3A, %dma_start3A_300] : memref<32x16xf32, #tpu.memory_space<hbm>> -> memref<1x16xf32, #tpu.memory_space<hbm>>
      %dma_start3A_302 = tpu.memref_squeeze %dma_start3A_301 : memref<1x16xf32, #tpu.memory_space<hbm>> -> memref<16xf32, #tpu.memory_space<hbm>>
      tpu.enqueue_dma source(%arg12 : memref<16xf32, #tpu.memory_space<vmem>>) target(%dma_start3A_302 : memref<16xf32, #tpu.memory_space<hbm>>) target_semaphore(%run_scoped3A : memref<!tpu.dma_semaphore, #tpu.memory_space<semaphore_mem>>)
      %dma_wait3A_303 = arith.constant 0 : i32
      %dma_wait3A_304 = tpu.memref_slice %arg6[%add3A, %dma_wait3A_303] : memref<32x16xf32, #tpu.memory_space<hbm>> -> memref<1x16xf32, #tpu.memory_space<hbm>>
      %dma_wait3A_305 = tpu.memref_squeeze %dma_wait3A_304 : memref<1x16xf32, #tpu.memory_space<hbm>> -> memref<16xf32, #tpu.memory_space<hbm>>
      %dma_wait3A_306 = arith.constant 0 : i32
      %dma_wait3A_307 = tpu.memref_slice %arg6[%add3A, %dma_wait3A_306] : memref<32x16xf32, #tpu.memory_space<hbm>> -> memref<1x16xf32, #tpu.memory_space<hbm>>
      %dma_wait3A_308 = tpu.memref_squeeze %dma_wait3A_307 : memref<1x16xf32, #tpu.memory_space<hbm>> -> memref<16xf32, #tpu.memory_space<hbm>>
      tpu.wait_dma2 semaphore(%run_scoped3A : memref<!tpu.dma_semaphore, #tpu.memory_space<semaphore_mem>>) src(%arg12 : memref<16xf32, #tpu.memory_space<vmem>>) dst(%dma_wait3A_308 : memref<16xf32, #tpu.memory_space<hbm>>)
      tpu.yield
    }) : () -> ()
    return
  }
}

module attributes {stable_mosaic.version = 14 : i64} {
  func.func @_sumsq_body(%arg0: i32, %arg1: memref<16x43904xf32, #tpu.memory_space<vmem>>, %arg2: memref<1x1xf32, #tpu.memory_space<smem>>) attributes {dimension_semantics = [#tpu.dimension_semantics<arbitrary>], iteration_bounds = array<i64: 16>, scalar_prefetch = 0 : i64, scratch_operands = 0 : i64, tpu.core_type = #tpu.core_type<tc>, window_params = [{transform_indices = @transform_0, window_bounds = array<i64: 16, 43904>}, {transform_indices = @transform_1, window_bounds = array<i64: 1, 1>}]} {
    %eq3A = arith.constant 0 : i32
    %eq3A_0 = arith.cmpi eq, %arg0, %eq3A : i32
    %convert_element_type3A = arith.extui %eq3A_0 : i1 to i32
    %cond3A = arith.constant 0 : i32
    %cond3A_1 = arith.cmpi ne, %convert_element_type3A, %cond3A : i32
    scf.if %cond3A_1 {
      %swap3A_13 = arith.constant 0.000000e+00 : f32
      %swap3A_14 = arith.constant 0 : index
      %swap3A_15 = arith.constant 0 : index
      %swap3A_16 = memref.load %arg2[%swap3A_14, %swap3A_15] : memref<1x1xf32, #tpu.memory_space<smem>>
      memref.store %swap3A_13, %arg2[%swap3A_14, %swap3A_15] : memref<1x1xf32, #tpu.memory_space<smem>>
    } else {
    }
    %get3A = arith.constant 0 : index
    %get3A_2 = arith.constant 0 : index
    %get3A_3 = vector.load %arg1[%get3A, %get3A_2] : memref<16x43904xf32, #tpu.memory_space<vmem>>, vector<16x43904xf32>
    %get3A_4 = arith.constant 0 : index
    %get3A_5 = arith.constant 0 : index
    %get3A_6 = memref.load %arg2[%get3A_4, %get3A_5] : memref<1x1xf32, #tpu.memory_space<smem>>
    %mul3A = arith.mulf %get3A_3, %get3A_3 : vector<16x43904xf32>
    %reduce_sum3A = vector.shape_cast %mul3A : vector<16x43904xf32> to vector<1x16x43904xf32>
    %reduce_sum3A_7 = arith.constant dense<0.000000e+00> : vector<1xf32>
    %reduce_sum3A_8 = vector.multi_reduction <add>, %reduce_sum3A, %reduce_sum3A_7 [1, 2] : vector<1x16x43904xf32> to vector<1xf32>
    %reduce_sum3A_9 = vector.shape_cast %reduce_sum3A_8 : vector<1xf32> to vector<1x1x1xf32>
    %reduce_sum3A_10 = vector.extract %reduce_sum3A_9[0, 0, 0] : f32 from vector<1x1x1xf32>
    %add3A = arith.addf %get3A_6, %reduce_sum3A_10 : f32
    %swap3A = arith.constant 0 : index
    %swap3A_11 = arith.constant 0 : index
    %swap3A_12 = memref.load %arg2[%swap3A, %swap3A_11] : memref<1x1xf32, #tpu.memory_space<smem>>
    memref.store %add3A, %arg2[%swap3A, %swap3A_11] : memref<1x1xf32, #tpu.memory_space<smem>>
    return
  }
  func.func @transform_0(%arg0: i32) -> (i32, i32) {
    %c0_i32 = arith.constant 0 : i32
    %c0_i32_0 = arith.constant 0 : i32
    return %arg0, %c0_i32 : i32, i32
  }
  func.func @transform_1(%arg0: i32) -> (i32, i32) {
    %c0_i32 = arith.constant 0 : i32
    %c0_i32_0 = arith.constant 0 : i32
    %c0_i32_1 = arith.constant 0 : i32
    return %c0_i32, %c0_i32_0 : i32, i32
  }
}

</mosaic_0001>

<sc_bundles>
// kernel: kernel.4.cloned.1.call-start
scs
__scs_entry_jumppad:
0x0: {  	(pc) =	sbr.rel $0x88, $3  }
0x1: {  	(tag) =	ssettag $0x0;
	lr =	simm.s32 $0x1  }
0x2: {  	[smem:$0x3F9E] =	sst lr;
	_ =	strace $0xD0000000  }
0x3: {  	_ = 	snop  }
0x4: {  	_ = 	snop  }
0x5: {  	_ = 	snop  }
0x6: {  	_ = 	snop  }
0x7: {  	_ = 	snop  }
__scs_overlays_trampoline_lowered:
0x8: {  	[smem:$0x3FAD] =	sst s0  }
0x9: {  	[smem:$0x3FAE] =	sst s1  }
0xa: {  	[smem:$0x3FAF] =	sst s2  }
0xb: {  	[smem:$0x3FB0] =	sst s3  }
0xc: {  	[smem:$0x3FB1] =	sst s4  }
0xd: {  	[smem:$0x3FB2] =	sst s5  }
0xe: {  	[smem:$0x3FB3] =	sst s6  }
0xf: {  	[smem:$0x3FB4] =	sst s7  }
0x10: {  	[smem:$0x3FB5] =	sst s8  }
0x11: {  	[smem:$0x3FB6] =	sst s9;
	s0 =	simm.s32 @!p0 $0x0  }
0x12: {  	s1 =	sld [smem:$0x3F9C];
	s0 =	simm.s32 @p0 $0x1  }
0x13: {  	[smem:$0x3FB7] =	sst s0;
	s0 =	simm.s32 @!p1 $0x0  }
0x14: {  	s2 =	sld [smem:$0x3F9B];
	s0 =	simm.s32 @p1 $0x1  }
0x15: {  	[smem:$0x3FB8] =	sst s0;
	s0 =	simm.s32 @!p2 $0x0  }
0x16: {  	s3 =	sld [smem:$0x3FDB];
	s0 =	simm.s32 @p2 $0x1  }
0x17: {  	s4 =	simm.s32 $0x1BF5;
	[smem:$0x3FBA] =	sst s0  }
0x18: {  	s0 =	sld [smem:$0x3F9D];
	_ =	swait.ge [sflag:s4], $0x0  }
0x19: {  	s7 =	sld [smem:$0x3F9E]  }
0x1a: {  	s8 =	sadd.s32 $0xFFFFE003, lr  }
0x1b: {  	s9 =	sadd.s32 $0xFFFFFEF7, lr;
	s5 =	simm.s32 $0xFFFFFFFF;
	p2 =	slt.u32 s8, $0xFFFFF086  }
0x1c: {  	p1 =	slt.u32 s9, $0xF7A;
	s5 =	simm.s32 @!p2 $0x0  }
0x1d: {  	s5 =	simm.s32 @p1 $0x1;
	p0 =	seq.s32 s7, s2  }
0x1e: {  	s7 =	smul.u32 @!p0 $0xF7A, s2;
	p2 =	seq.s32 @!p0 s5, $0x0  }
0x1f: {  	s9 =	smul.u32 $0xF7A, s1;
	s8 =	simm.s32 @!p0 $0x1BF5;
	p2 =	por !p2, p0  }
0x20: {  	[sflag:s8] =	ssyncset.s32 @!p0 $0xFFFFF086;
	s6 =	sadd.s32 @!p0 s3, s7;
	s7 =	simm.s32 @!p0 $0x108  }
0x21: {  	s3 =	sadd.s32 s3, s9;
	s6 =	sadd.s32 @!p0 $0x88, s6;
	s7 =	simm.s32 @p2 $0x1082  }
0x22: {  	[simem:s7], [sflag:s8] =	dma.local @!p0 [hbm:s6], $0xF7A  }
0x23: {  	s9 =	sor.u32 $0xD0000000, s2;
	s6 =	simm.s32 $0x108;
	_ =	swait.ge @!p0 [sflag:s8], $0x0  }
0x24: {  	s3 =	sadd.s32 $0x88, s3;
	s6 =	simm.s32 @!p1 $0x1082;
	[sflag:s4] =	ssyncset.s32 $0xFFFFF086  }
0x25: {  	[simem:s6], [sflag:s4] =	dma.local [hbm:s3], $0xF7A  }
0x26: {  	[smem:$0x3F9E] =	sst s1;
	(tag) =	ssettag s2;
	_ =	strace s9  }
0x27: {  	s1 =	sld [smem:$0x3FAE]  }
0x28: {  	s2 =	sld [smem:$0x3FAF]  }
0x29: {  	s4 =	sld [smem:$0x3FB1]  }
0x2a: {  	p0 =	seq.s32 s5, $0x0;
	s5 =	sld [smem:$0x3FB2]  }
0x2b: {  	s6 =	sld [smem:$0x3FB3]  }
0x2c: {  	s7 =	sld [smem:$0x3FB4]  }
0x2d: {  	s3 =	simm.s32 $0x108;
	s8 =	sld [smem:$0x3FB5]  }
0x2e: {  	s3 =	simm.s32 @!p0 $0x1082;
	s9 =	sld [smem:$0x3FB6]  }
0x2f: {  	lr =	sadd.s32 s0, s3;
	s0 =	sld [smem:$0x3FAD]  }
0x30: {  	s3 =	sld [smem:$0x3FB0]  }
0x31: {  	[smem:$0x3FB9] =	sst s10  }
0x32: {  	s10 =	sld [smem:$0x3FB7];
	_ =	sdelay $0x3  }
0x33: {  	p0 =	seq.s32 s10, $0x1;
	s10 =	sld [smem:$0x3FB9];
	_ =	sdelay $0x3  }
0x34: {  	[smem:$0x3FB9] =	sst s10  }
0x35: {  	s10 =	sld [smem:$0x3FB8];
	_ =	sdelay $0x3  }
0x36: {  	p1 =	seq.s32 s10, $0x1;
	s10 =	sld [smem:$0x3FB9];
	_ =	sdelay $0x3  }
0x37: {  	[smem:$0x3FB9] =	sst s10  }
0x38: {  	s10 =	sld [smem:$0x3FBA]  }
0x39: {  	_ = 	snop;
	(pc) =	sbr.ind lr, $3  }
0x3a: {  	_ = 	snop  }
0x3b: {  	_ = 	snop  }
0x3c: {  	p2 =	seq.s32 s10, $0x1;
	s10 =	sld [smem:$0x3FB9]  }
0x3d: {  	_ =	shalt  }
0x3e: {  	_ =	shalt  }
0x3f: {  	_ =	shalt  }
0x40: {  	_ =	shalt  }
0x41: {  	_ =	shalt  }
0x42: {  	_ =	shalt  }
0x43: {  	_ =	shalt  }
0x44: {  	_ =	shalt  }
0x45: {  	_ =	shalt  }
0x46: {  	_ =	shalt  }
0x47: {  	_ =	shalt  }
0x48: {  	_ =	shalt  }
0x49: {  	_ =	shalt  }
0x4a: {  	_ =	shalt  }
0x4b: {  	_ =	shalt  }
0x4c: {  	_ =	shalt  }
0x4d: {  	_ =	shalt  }
0x4e: {  	_ =	shalt  }
0x4f: {  	_ =	shalt  }
0x50: {  	_ =	shalt  }
0x51: {  	_ =	shalt  }
0x52: {  	_ =	shalt  }
0x53: {  	_ =	shalt  }
0x54: {  	_ =	shalt  }
0x55: {  	_ =	shalt  }
0x56: {  	_ =	shalt  }
0x57: {  	_ =	shalt  }
0x58: {  	_ =	shalt  }
0x59: {  	_ =	shalt  }
0x5a: {  	_ =	shalt  }
0x5b: {  	_ =	shalt  }
0x5c: {  	_ =	shalt  }
0x5d: {  	_ =	shalt  }
0x5e: {  	_ =	shalt  }
0x5f: {  	_ =	shalt  }
0x60: {  	_ =	shalt  }
0x61: {  	_ =	shalt  }
0x62: {  	_ =	shalt  }
0x63: {  	_ =	shalt  }
0x64: {  	_ =	shalt  }
0x65: {  	_ =	shalt  }
0x66: {  	_ =	shalt  }
0x67: {  	_ =	shalt  }
0x68: {  	_ =	shalt  }
0x69: {  	_ =	shalt  }
0x6a: {  	_ =	shalt  }
0x6b: {  	_ =	shalt  }
0x6c: {  	_ =	shalt  }
0x6d: {  	_ =	shalt  }
0x6e: {  	_ =	shalt  }
0x6f: {  	_ =	shalt  }
0x70: {  	_ =	shalt  }
0x71: {  	_ =	shalt  }
0x72: {  	_ =	shalt  }
0x73: {  	_ =	shalt  }
0x74: {  	_ =	shalt  }
0x75: {  	_ =	shalt  }
0x76: {  	_ =	shalt  }
0x77: {  	_ =	shalt  }
0x78: {  	_ =	shalt  }
0x79: {  	_ =	shalt  }
0x7a: {  	_ =	shalt  }
0x7b: {  	_ =	shalt  }
0x7c: {  	_ =	shalt  }
0x7d: {  	_ =	shalt  }
0x7e: {  	_ =	shalt  }
0x7f: {  	_ =	shalt  }
0x80: {  	_ =	shalt  }
0x81: {  	_ =	shalt  }
0x82: {  	_ =	shalt  }
0x83: {  	_ =	shalt  }
0x84: {  	_ =	shalt  }
0x85: {  	_ =	shalt  }
0x86: {  	_ =	shalt  }
0x87: {  	_ =	shalt  }
.Lfunc_end0:
.L_simem_size_0:
called_computation_lowered:
.L_overlay_start_0:
0x88: {  	s2 =	sld [smem:$0x3FD9]  }
0x89: {  	s3 =	sld [smem:$0x3FFE];
	_ =	sdelay $0x1  }
0x8a: {  	s1 =	srdreg.scid  }
0x8b: {  	s0 =	sand.u32 $0x1, s1  }
0x8c: {  	s16 =	sshll.u32 s0, $0xA;
	s2 =	sadd.s32 s3, s2  }
0x8d: {  	s2 =	sadd.s32 s2, s16  }
0x8e: {  	[smem:$0x3FC5] =	sst s2  }
0x8f: {  	_ = 	snop  }
0x90: {  	(tm) =	ssettm $0x1  }
0x91: {  	s17 =	sld [smem:$0x3FFB];
	_ =	sdelay $0x3  }
0x92: {  	_ =	strace s17  }
0x93: {  	s2 =	sld [smem:$0x3FFC];
	_ =	sdelay $0x3  }
0x94: {  	_ =	strace s2  }
0x95: {  	s2 =	sld [smem:$0x3FFD];
	_ =	sdelay $0x3  }
0x96: {  	_ =	strace s2  }
0x97: {  	_ =	strace $0x8FFFFFFF  }
0x98: {  	s18 =	sld [smem:$0x3FDB];
	_ =	sdelay $0x1  }
0x99: {  	s19 =	simm.s32 $_scs_section_size  }
0x9a: {  	s4 =	simm.s32 $_size__tile_overlayer_lowered;
	s5 =	simm.s32 $_tile_overlayer_lowered  }
0x9b: {  	s22 =	simm.s32 $0x1BFF;
	s21 =	sshll.u32 s5, $0x1;
	s2 =	sadd.s32 s19, s18  }
0x9c: {  	s6 =	simm.s32 $0x0;
	s20 =	sshll.u32 s4, $0x1;
	s4 =	sadd.s32 s21, s2  }
0x9d: {  	[timem:s6], [sflag:s22] =	dma.local [hbm:s4], s20  }
0x9e: {  	_ =	swait.ge [sflag:s22], s20  }
0x9f: {  	s3 =	ssub.s32 $0x0, s20;
	[sflag:s22] =	ssyncset.done $0x0  }
0xa0: {  	[sflag:s22] =	ssyncadd.s32 s3;
	_ =	sdelay $0x1  }
0xa1: {  	s23 =	simm.s32 $0x1B8B  }
0xa2: {  	_ =	swait.ge [sflag:s23], $0x1  }
0xa3: {  	[sflag:s23] =	ssyncset.done $0x0  }
0xa4: {  	s25 =	simm.s32 $0x1B8E;
	s24 =	sld [smem:$0x3FFE];
	[sflag:s23] =	ssyncadd.s32 $0xFFFFFFFF  }
0xa5: {  	s26 =	simm.s32 $execute0_lowered;
	[smem:$0x3FD2] =	sst s25  }
0xa6: {  	s4 =	sshll.u32 s26, $0x1;
	_ =	strace $0x80000046;
	[dreg:$0x1] =	wrdreg $0xFFFFFFFF  }
0xa7: {  	s28 =	simm.s32 $_size_execute0_lowered;
	s2 =	sadd.s32 s2, s4;
	[dreg:$0x0] =	wrdreg $0x0  }
0xa8: {  	s4 =	sshll.u32 s28, $0x1;
	[dreg:$0x2] =	wrdreg s2  }
0xa9: {  	[dreg:$0x3] =	wrdreg s4  }
0xaa: {  	[dreg:$0x4] =	wrdreg $0xC0  }
0xab: {  	_ =	task [dreg:s6], $0x5FFFF  }
0xac: {  	[dreg:$0x1] =	wrdreg $0xFFFFFFFF  }
0xad: {  	[dreg:$0x0] =	wrdreg $0x60  }
0xae: {  	[dreg:$0x2] =	wrdreg s24  }
0xaf: {  	[dreg:$0x3] =	wrdreg $0x9  }
0xb0: {  	_ =	task.clear_ibuf [dreg:s6], $0x4FFFF;
	_ =	strace $0x90000046  }
0xb1: {  	s29 =	simm.s32 $0x9;
	_ =	strace $0x80000048  }
0xb2: {  	_ =	swait.ge [sflag:s29], $0x1  }
0xb3: {  	[sflag:s29] =	ssyncadd.s32 $0xFFFFFFFF  }
0xb4: {  	_ =	strace $0x90000048  }
0xb5: {  	_ =	sfence  }
0xb6: {  	s30 =	sld [smem:$0x0];
	_ =	sdelay $0x2  }
0xb7: {  	s31 =	sshll.u32 s1, $0xD;
	s1 =	sshrl.u32 s1, $0x2  }
0xb8: {  	s3 =	sand.u32 $0x4000, s31;
	s1 =	sadd.s32 s1, s30  }
0xb9: {  	s0 =	sor.u32 s3, s0;
	s1 =	sshll.u32 s1, $0x11  }
0xba: {  	s0 =	sor.u32 s1, s0  }
0xbb: {  	s0 =	sadd.s32 $0x8F2B, s0  }
0xbc: {  	[sflag:s0] =	ssyncadd.remote.s32 $0x1  }
0xbd: {  	_ =	sfence.sel $0xFFFF  }
0xbe: {  	[dreg:$0x0] =	wrdreg $0xFFFFFFFF;
	(pc) =	sbr.abs _section_cstart, $3  }
0xbf: {  	[dreg:$0x1] =	wrdreg $0xFFFFFFFF  }
0xc0: {  	_ =	task.clear_ibuf [dreg:s6], $0x2FFFF;
	_ =	strace $0x9FFFFFFF  }
0xc1: {  	(tm) =	ssettm $0x7FFFFFFF  }
tec
execute0_lowered:
.L_overlay_start_1:
0x0: {  	(tag) =	ssettag $0x1  }
0x1: {  	s0 =	srdreg.scid;
	s8 =	stileid.u32  }
0x2: {  	s4 =	rddreg [dreg:$0x0];
	s2 =	simm.s32 $0x0;
	s10 =	simm.s32 $0x2  }
0x3: {  	s13 =	simm.s32 $0x80;
	s30 =	simm.s32 $0x2080;
	s31 =	simm.s32 $0x1900  }
0x4: {  	s11 =	simm.s32 $0x2180;
	s12 =	simm.s32 $0x1A00;
	s14 =	simm.s32 $0x2200  }
0x5: {  	s15 =	simm.s32 $0x1A80;
	s16 =	simm.s32 $0x2280;
	s17 =	simm.s32 $0x1B00  }
0x6: {  	s18 =	simm.s32 $0x2300;
	s19 =	simm.s32 $0x1B80;
	s20 =	simm.s32 $0x2380  }
0x7: {  	s21 =	simm.s32 $0x1;
	s22 =	simm.s32 $0x2500;
	s0 =	sand.u32 $0x1, s0  }
0x8: {  	s1 =	sshll.u32 s8, $0x1;
	[smem:$0x7FF] =	sst s2;
	s9 =	smul.u32 $0xE00, s8  }
0x9: {  	s1 =	sor.u32 s0, s1;
	s5 =	ssub.s32 $0x2, s0;
	s0 =	smul.u32 $0x700, s0  }
0xa: {  	s3 =	smul.u32 $0x700, s1;
	s1 =	sshll.u32 s1, $0x4;
	s7 =	sshrl.u32 s5, $0x1  }
0xb: {  	_ =	strace $0x80000047;
	s1 =	sadd.s32 s1, s4;
	s29 =	ssub.s32 s5, s7  }
0xc: {  	s9 =	sadd.s32 s0, s9;
	s0 =	simm.s32 $0x1980;
	s3 =	sshrl.u32 s3, $0x3  }
0xd: {  	s7 =	sadd.s32 $0xF5CA00, s1;
	s1 =	simm.s32 $0x2100;
	s6 =	sadd.s32 s3, s4  }
0xe: {  	v0 =	vlaneseq.u32;
	s23 =	simm.s32 $0x0;
	s3 =	sadd.s32 $0xE05A00, s4;
	s4 =	sadd.s32 $0xE00600, s6  }
0xf: {  	v0 =	vmul.u32 $0xC4, v0;
	s8 =	smax.u32 s29, $0x1;
	s5 =	sadd.s32 $0xE02200, s6;
	s6 =	sadd.s32 $0xE03E00, s6  }
.LBB2_1:
0x10: {  	[tilespmem:s2], [sflag:$0x2] =	stream.linear.gather [hbm4b:s4+s2], $0x700, $0x38;
	[tilespmem:$0x2580] =	vst v63  }
0x11: {  	_ =	swait.ge [sflag:s10], $0x700  }
0x12: {  	[sflag:s10] =	ssyncset.done $0x0  }
0x13: {  	s24 =	simm.s32 $0x700;
	[sflag:s10] =	ssyncadd.s32 $0xFFFFF900  }
0x14: {  	[tilespmem:s24], [sflag:$0x2] =	stream.linear.gather [hbm4b:s5+s2], $0x700, $0x38;
	[tilespmem:$0x2580] =	vst v63  }
0x15: {  	_ =	swait.ge [sflag:s10], $0x700  }
0x16: {  	[sflag:s10] =	ssyncset.done $0x0  }
0x17: {  	s29 =	simm.s32 $0xE00;
	[sflag:s10] =	ssyncadd.s32 $0xFFFFF900  }
0x18: {  	[tilespmem:s29], [sflag:$0x2] =	stream.linear.gather [hbm4b:s6+s2], $0x700, $0x38;
	[tilespmem:$0x2580] =	vst v63  }
0x19: {  	_ =	swait.ge [sflag:s10], $0x700  }
0x1a: {  	[sflag:s10] =	ssyncset.done $0x0  }
0x1b: {  	s25 =	simm.s32 $0x0;
	[sflag:s10] =	ssyncadd.s32 $0xFFFFF900  }
0x1c: {  	v1 =	vld [tilespmem:s25+$0x0];
	_ =	sdelay $0x2  }
0x1d: {  	v2 =	vld [tilespmem:s25+$0x700];
	_ =	sdelay $0x1  }
0x1e: {  	v1 =	vmul.f32 $1.400000000e+01, v1;
	_ =	sdelay $0x1  }
0x1f: {  	v1 =	vtrunc.f32 v1  }
0x20: {  	v2 =	vmul.f32 $1.400000000e+01, v2;
	v1 =	vcvt.f32.s32 v1  }
0x21: {  	s26 =	sadd.s32 $0x0, s9  }
0x22: {  	v3 =	vmov s26;
	v2 =	vtrunc.f32 v2;
	vm0 =	vgt.s32 v1, $0x0  }
0x23: {  	v3 =	vmul.u32 $0xC4, v3;
	v2 =	vcvt.f32.s32 v2;
	v1 =	vnsel vm0, $0x0, v1  }
0x24: {  	v1 =	vmin.u32 v1, $0xD  }
0x25: {  	v3 =	vbroadcast v3, $0x0;
	vm15 =	vgt.s32 v2, $0x0;
	v1 =	vmul.u32 $0xE, v1  }
0x26: {  	v2 =	vnsel vm15, $0x0, v2  }
0x27: {  	s29 =	sand.u32 $0x1E00, s2;
	v2 =	vmin.u32 v2, $0xD;
	v1 =	vadd.s32 v1, v3  }
0x28: {  	s26 =	sshrl.u32 s29, $0x2;
	s25 =	sand.u32 $0x70, s2;
	v1 =	vadd.s32 v2, v1  }
0x29: {  	s28 =	simm.s32 $0x10;
	s25 =	sor.u32 s25, s26;
	v1 =	vadd.s32 v0, v1  }
0x2a: {  	s24 =	simm.s32 $0x40;
	s26 =	simm.s32 $0x80;
	[tilespmem:s25+$0x1500] =	vst v1;
	s25 =	simm.s32 $0x0  }
.LBB2_2:
0x2b: {  	p0 =	sne.s32 s26, $0x1BC0;
	v1 =	vld [tilespmem:s28+$0x0];
	_ =	sdelay $0x2  }
0x2c: {  	v2 =	vld [tilespmem:s28+$0x700];
	_ =	sdelay $0x1  }
0x2d: {  	v1 =	vmul.f32 $1.400000000e+01, v1;
	_ =	sdelay $0x1  }
0x2e: {  	v1 =	vtrunc.f32 v1  }
0x2f: {  	s25 =	sadd.s32 $0x10, s25;
	v1 =	vcvt.f32.s32 v1;
	v2 =	vmul.f32 $1.400000000e+01, v2  }
0x30: {  	s28 =	sadd.s32 s25, s9  }
0x31: {  	v3 =	vmov s28;
	vm0 =	vgt.s32 v1, $0x0;
	v2 =	vtrunc.f32 v2  }
0x32: {  	v3 =	vmul.u32 $0xC4, v3;
	v1 =	vnsel vm0, $0x0, v1;
	v2 =	vcvt.f32.s32 v2  }
0x33: {  	v1 =	vmin.u32 v1, $0xD  }
0x34: {  	v3 =	vbroadcast v3, $0x0;
	vm0 =	vgt.s32 v2, $0x0;
	v1 =	vmul.u32 $0xE, v1  }
.Ltmp0:
0x35: {  	v2 =	vnsel vm0, $0x0, v2;
	(pc) =	sbr.rel @p0 .LBB2_2-.Ltmp0, $4  }
0x36: {  	s28 =	sand.u32 $0x1E00, s24;
	s24 =	smov.u32 s26;
	v2 =	vmin.u32 v2, $0xD;
	v1 =	vadd.s32 v1, v3  }
0x37: {  	s29 =	sand.u32 $0x70, s25;
	s28 =	sshrl.u32 s28, $0x2;
	v1 =	vadd.s32 v2, v1  }
0x38: {  	s29 =	sor.u32 s29, s28;
	v1 =	vadd.s32 v0, v1  }
0x39: {  	s26 =	sadd.s32 $0x40, s26;
	s28 =	sshra.s32 s24, $0x2;
	[tilespmem:s29+$0x1500] =	vst v1  }
0x3a: {  	v1 =	vld [tilespmem:s28+$0x0];
	_ =	sdelay $0x2  }
0x3b: {  	v2 =	vld [tilespmem:s28+$0x700];
	_ =	sdelay $0x1  }
0x3c: {  	v1 =	vmul.f32 $1.400000000e+01, v1;
	_ =	sdelay $0x1  }
0x3d: {  	v1 =	vtrunc.f32 v1  }
0x3e: {  	s25 =	sadd.s32 $0x10, s25;
	v2 =	vmul.f32 $1.400000000e+01, v2;
	v1 =	vcvt.f32.s32 v1  }
0x3f: {  	s26 =	sadd.s32 s25, s9  }
0x40: {  	v3 =	vmov s26;
	v2 =	vtrunc.f32 v2;
	vm0 =	vgt.s32 v1, $0x0  }
0x41: {  	v3 =	vmul.u32 $0xC4, v3;
	v2 =	vcvt.f32.s32 v2;
	v1 =	vnsel vm0, $0x0, v1  }
0x42: {  	v1 =	vmin.u32 v1, $0xD  }
0x43: {  	v3 =	vbroadcast v3, $0x0;
	vm0 =	vgt.s32 v2, $0x0;
	v1 =	vmul.u32 $0xE, v1  }
0x44: {  	v2 =	vnsel vm0, $0x0, v2  }
0x45: {  	s24 =	sand.u32 $0x1E00, s24;
	v2 =	vmin.u32 v2, $0xD;
	v1 =	vadd.s32 v1, v3  }
0x46: {  	s25 =	sand.u32 $0x70, s25;
	s24 =	sshrl.u32 s24, $0x2;
	v1 =	vadd.s32 v2, v1  }
0x47: {  	s24 =	sor.u32 s25, s24;
	v1 =	vadd.s32 v0, v1  }
0x48: {  	s28 =	simm.s32 $0x1500;
	s29 =	simm.s32 $0x1D00;
	[tilespmem:s24+$0x1500] =	vst v1  }
0x49: {  	[tilespmem:s29], [sflag:$0x1] =	stream.indirect.gather [hbm4b:s3+s13], $0x1, s28, s13, $0xb8;
	[tilespmem:$0x2580] =	vst v63  }
0x4a: {  	s25 =	simm.s32 $0x1580;
	s26 =	simm.s32 $0x1D80  }
0x4b: {  	[tilespmem:s26], [sflag:$0x1] =	stream.indirect.gather [hbm4b:s3+s13], $0x1, s25, s13, $0xb8;
	[tilespmem:$0x2580] =	vst v63  }
0x4c: {  	s28 =	simm.s32 $0x1600;
	s29 =	simm.s32 $0x1E00  }
0x4d: {  	[tilespmem:s29], [sflag:$0x1] =	stream.indirect.gather [hbm4b:s3+s13], $0x1, s28, s13, $0xb8;
	[tilespmem:$0x2580] =	vst v63  }
0x4e: {  	s25 =	simm.s32 $0x1680;
	s26 =	simm.s32 $0x1E80  }
0x4f: {  	[tilespmem:s26], [sflag:$0x1] =	stream.indirect.gather [hbm4b:s3+s13], $0x1, s25, s13, $0xb8;
	[tilespmem:$0x2580] =	vst v63  }
0x50: {  	s28 =	simm.s32 $0x1700;
	s29 =	simm.s32 $0x1F00  }
0x51: {  	[tilespmem:s29], [sflag:$0x1] =	stream.indirect.gather [hbm4b:s3+s13], $0x1, s28, s13, $0xb8;
	[tilespmem:$0x2580] =	vst v63  }
0x52: {  	s25 =	simm.s32 $0x1780;
	s26 =	simm.s32 $0x1F80  }
0x53: {  	[tilespmem:s26], [sflag:$0x1] =	stream.indirect.gather [hbm4b:s3+s13], $0x1, s25, s13, $0xb8;
	[tilespmem:$0x2580] =	vst v63  }
0x54: {  	s28 =	simm.s32 $0x1800;
	s29 =	simm.s32 $0x2000  }
0x55: {  	[tilespmem:s29], [sflag:$0x1] =	stream.indirect.gather [hbm4b:s3+s13], $0x1, s28, s13, $0xb8;
	[tilespmem:$0x2580] =	vst v63  }
0x56: {  	s26 =	simm.s32 $0x1880  }
0x57: {  	[tilespmem:s30], [sflag:$0x1] =	stream.indirect.gather [hbm4b:s3+s13], $0x1, s26, s13, $0xb8;
	[tilespmem:$0x2580] =	vst v63  }
0x58: {  	_ = 	snop  }
0x59: {  	[tilespmem:s1], [sflag:$0x1] =	stream.indirect.gather [hbm4b:s3+s13], $0x1, s31, s13, $0xb8;
	[tilespmem:$0x2580] =	vst v63  }
0x5a: {  	_ = 	snop  }
0x5b: {  	[tilespmem:s11], [sflag:$0x1] =	stream.indirect.gather [hbm4b:s3+s13], $0x1, s0, s13, $0xb8;
	[tilespmem:$0x2580] =	vst v63  }
0x5c: {  	_ = 	snop  }
0x5d: {  	[tilespmem:s14], [sflag:$0x1] =	stream.indirect.gather [hbm4b:s3+s13], $0x1, s12, s13, $0xb8;
	[tilespmem:$0x2580] =	vst v63  }
0x5e: {  	_ = 	snop  }
0x5f: {  	[tilespmem:s16], [sflag:$0x1] =	stream.indirect.gather [hbm4b:s3+s13], $0x1, s15, s13, $0xb8;
	[tilespmem:$0x2580] =	vst v63  }
0x60: {  	_ = 	snop  }
0x61: {  	[tilespmem:s18], [sflag:$0x1] =	stream.indirect.gather [hbm4b:s3+s13], $0x1, s17, s13, $0xb8;
	[tilespmem:$0x2580] =	vst v63  }
0x62: {  	_ = 	snop  }
0x63: {  	[tilespmem:s20], [sflag:$0x1] =	stream.indirect.gather [hbm4b:s3+s13], $0x1, s19, s13, $0xb8;
	[tilespmem:$0x2580] =	vst v63  }
0x64: {  	_ =	swait.ge [sflag:s21], $0x80  }
0x65: {  	[sflag:s21] =	ssyncset.done $0x0  }
0x66: {  	[sflag:s21] =	ssyncadd.s32 $0xFFFFFF80  }
0x67: {  	_ =	swait.ge [sflag:s21], $0x80  }
0x68: {  	[sflag:s21] =	ssyncset.done $0x0  }
0x69: {  	[sflag:s21] =	ssyncadd.s32 $0xFFFFFF80  }
0x6a: {  	_ =	swait.ge [sflag:s21], $0x80  }
0x6b: {  	[sflag:s21] =	ssyncset.done $0x0  }
0x6c: {  	[sflag:s21] =	ssyncadd.s32 $0xFFFFFF80  }
0x6d: {  	_ =	swait.ge [sflag:s21], $0x80  }
0x6e: {  	[sflag:s21] =	ssyncset.done $0x0  }
0x6f: {  	[sflag:s21] =	ssyncadd.s32 $0xFFFFFF80  }
0x70: {  	_ =	swait.ge [sflag:s21], $0x80  }
0x71: {  	[sflag:s21] =	ssyncset.done $0x0  }
0x72: {  	[sflag:s21] =	ssyncadd.s32 $0xFFFFFF80  }
0x73: {  	_ =	swait.ge [sflag:s21], $0x80  }
0x74: {  	[sflag:s21] =	ssyncset.done $0x0  }
0x75: {  	[sflag:s21] =	ssyncadd.s32 $0xFFFFFF80  }
0x76: {  	_ =	swait.ge [sflag:s21], $0x80  }
0x77: {  	[sflag:s21] =	ssyncset.done $0x0  }
0x78: {  	[sflag:s21] =	ssyncadd.s32 $0xFFFFFF80  }
0x79: {  	_ =	swait.ge [sflag:s21], $0x80  }
0x7a: {  	[sflag:s21] =	ssyncset.done $0x0  }
0x7b: {  	[sflag:s21] =	ssyncadd.s32 $0xFFFFFF80  }
0x7c: {  	_ =	swait.ge [sflag:s21], $0x80  }
0x7d: {  	[sflag:s21] =	ssyncset.done $0x0  }
0x7e: {  	[sflag:s21] =	ssyncadd.s32 $0xFFFFFF80  }
0x7f: {  	_ =	swait.ge [sflag:s21], $0x80  }
0x80: {  	[sflag:s21] =	ssyncset.done $0x0  }
0x81: {  	[sflag:s21] =	ssyncadd.s32 $0xFFFFFF80  }
0x82: {  	_ =	swait.ge [sflag:s21], $0x80  }
0x83: {  	[sflag:s21] =	ssyncset.done $0x0  }
0x84: {  	[sflag:s21] =	ssyncadd.s32 $0xFFFFFF80  }
0x85: {  	_ =	swait.ge [sflag:s21], $0x80  }
0x86: {  	[sflag:s21] =	ssyncset.done $0x0  }
0x87: {  	[sflag:s21] =	ssyncadd.s32 $0xFFFFFF80  }
0x88: {  	_ =	swait.ge [sflag:s21], $0x80  }
0x89: {  	[sflag:s21] =	ssyncset.done $0x0  }
0x8a: {  	s28 =	simm.s32 $0x0;
	[sflag:s21] =	ssyncadd.s32 $0xFFFFFF80  }
0x8b: {  	s29 =	sand.u32 $0x1E00, s28;
	_ =	swait.ge [sflag:s21], $0x80  }
0x8c: {  	s24 =	sand.u32 $0x70, s28;
	s25 =	sshrl.u32 s29, $0x2;
	[sflag:s21] =	ssyncset.done $0x0  }
0x8d: {  	s24 =	sor.u32 s24, s25;
	[sflag:s21] =	ssyncadd.s32 $0xFFFFFF80  }
0x8e: {  	v1 =	vld [tilespmem:s24+$0x1D00]  }
0x8f: {  	s26 =	simm.s32 $0x0  }
0x90: {  	s28 =	simm.s32 $0x40;
	v4 =	vld [tilespmem:s26+$0xE00]  }
0x91: {  	s29 =	simm.s32 $0x10;
	s24 =	sand.u32 $0x1E00, s28  }
0x92: {  	s25 =	sand.u32 $0x70, s29;
	s24 =	sshrl.u32 s24, $0x2  }
0x93: {  	s25 =	sor.u32 s25, s24;
	v3 =	vadd.f32 v1, v1  }
0x94: {  	v2 =	vld [tilespmem:s25+$0x1D00]  }
0x95: {  	s26 =	simm.s32 $0x10;
	s24 =	simm.s32 $0x80;
	s25 =	simm.s32 $0x20;
	v1 =	vimm.f32 $0.0e+00;
	vm0 =	veq.s32 v4, $0x1;
	v3 =	vsub.f32 $1.000000000e+00, v3  }
.LBB2_4:
0x96: {  	s28 =	sand.u32 $0x1E00, s24  }
0x97: {  	p0 =	sne.s32 s24, $0x1BC0;
	v4 =	vld [tilespmem:s26+$0xE00];
	v3 =	vnsel vm0, $0x0, v3;
	s26 =	smov.u32 s24;
	s24 =	sadd.s32 $0x40, s24  }
.Ltmp1:
0x98: {  	s29 =	sand.u32 $0x70, s25;
	s28 =	sshrl.u32 s28, $0x2;
	v1 =	vadd.f32 v3, v1;
	(pc) =	sbr.rel @p0 .LBB2_4-.Ltmp1, $4  }
0x99: {  	s28 =	sor.u32 s29, s28;
	v3 =	vadd.f32 v2, v2  }
0x9a: {  	v2 =	vld [tilespmem:s28+$0x1D00]  }
0x9b: {  	v3 =	vsub.f32 $1.000000000e+00, v3  }
0x9c: {  	s25 =	sadd.s32 $0x10, s25;
	s26 =	sshra.s32 s26, $0x2;
	vm0 =	veq.s32 v4, $0x1  }
0x9d: {  	v4 =	vld [tilespmem:s26+$0xE00];
	_ =	sdelay $0x1  }
0x9e: {  	v2 =	vadd.f32 v2, v2;
	_ =	sdelay $0x1  }
0x9f: {  	v3 =	vnsel vm0, $0x0, v3;
	v2 =	vsub.f32 $1.000000000e+00, v2  }
0xa0: {  	v1 =	vadd.f32 v3, v1;
	vm15 =	veq.s32 v4, $0x1  }
0xa1: {  	v2 =	vnsel vm15, $0x0, v2  }
0xa2: {  	s23 =	sadd.s32 $0x1, s23;
	v1 =	vadd.f32 v2, v1  }
0xa3: {  	p0 =	sne.s32 s23, s8  }
.Ltmp2:
0xa4: {  	[tilespmem:$0x2500] =	vst v1;
	(pc) =	sbr.rel @p0 .LBB2_1-.Ltmp2, $4  }
0xa5: {  	[hbm4b:s7+s2] =	stream.linear.scatter [tilespmem:s22], [sflag:$0x2], $0x80, $0x38;
	[tilespmem:$0x2580] =	vst v63  }
0xa6: {  	_ =	swait.ge [sflag:s10], $0x80  }
0xa7: {  	[sflag:s10] =	ssyncset.done $0x0  }
0xa8: {  	[sflag:s10] =	ssyncadd.s32 $0xFFFFFF80  }
0xa9: {  	_ =	sfence.sel $0x180000  }
0xaa: {  	[bflag:$0x0] =	sbarrier.arrive $0xFFFF  }
0xab: {  	_ =	strace $0x90000047  }
0xac: {  	s0 =	stileid.u32;
	[bflag:$0x2] =	sbarrier.arrive $0xFFFF  }
0xad: {  	p0 =	sne.s32 s0, $0x0;
	s0 =	rddreg [dreg:$0x1]  }
0xae: {  	s0 =	sadd.s32 @!p0 $0x100000, s0  }
0xaf: {  	[sflag:s0] =	ssyncadd.tile.s32 @!p0 $0x1;
	_ =	shalt  }
.Lfunc_end2:
_tile_overlayer_lowered:
.L_overlay_start_2:
0xb0: {  	(tag) =	ssettag $0x2  }
0xb1: {  	s0 =	rddreg [dreg:$0x0];
	s2 =	stileid.u32  }
0xb2: {  	s1 =	rddreg [dreg:$0x1];
	p0 =	sne.s32 s2, $0x0  }
0xb3: {  	s3 =	rddreg [dreg:$0x2];
	[bflag:$0x3] =	sbarrier.arrive $0xFFFF;
	s2 =	simm.s32 @!p0 $0x1C02  }
0xb4: {  	[timem:s3], [sflag:s2] =	dma.local @!p0 [hbm:s0], s1  }
0xb5: {  	s0 =	simm.s32 @!p0 $0x2  }
0xb6: {  	_ =	swait.ge @!p0 [sflag:s0], s1  }
0xb7: {  	s1 =	ssub.s32 @!p0 $0x0, s1;
	[sflag:s0] =	ssyncset.done @!p0 $0x0  }
0xb8: {  	[sflag:s0] =	ssyncadd.s32 @!p0 s1  }
0xb9: {  	[bflag:$0x3] =	sbarrier.arrive $0xFFFF  }
0xba: {  	_ =	shalt  }

</sc_bundles>
